<compile_context>
chip_gen: v7x
topology: tpu7x:2x2x1
jax: 0.10.2.dev20260603
libtpu: 0.0.44.dev20260713+nightly
codegen_flags: <defaults>
</compile_context>

<pallas_src>
import jax
import jax.numpy as jnp
from jax import lax
from jax.experimental import pallas as pl
from jax.experimental.pallas import tpu as pltpu
from jax.experimental.pallas import tpu_sc as plsc
import functools

N = 320000
D = 128
S = 10000

NC = 2
NS = 16
DC = D // NC
ROWS_PER_TILE = N // NS
SEG_PER_TILE = S // NS
SUB = 100
NSUB = 4
BLK = SUB * NSUB
NBUF = 3
NBLK = ROWS_PER_TILE // BLK


def _make_kernel():
    mesh = plsc.VectorSubcoreMesh(core_axis_name="c", subcore_axis_name="s")

    @functools.partial(
        pl.kernel,
        out_type=jax.ShapeDtypeStruct((S, D), jnp.float32),
        mesh=mesh,
        scratch_types=[
            pltpu.VMEM((NBUF, NSUB, SUB), jnp.int32),
            pltpu.VMEM((NBUF, BLK, DC), jnp.float32),
            pltpu.VMEM_SHARED((S, DC), jnp.float32),
            pltpu.SemaphoreType.DMA((NBUF,)),
            pltpu.SemaphoreType.DMA((NBUF,)),
            pltpu.SemaphoreType.DMA((NBUF,)),
        ],
        compiler_params=pltpu.CompilerParams(use_tc_tiling_on_sc=False),
    )
    def seg_sum(data_hbm, seg_hbm, zeros_hbm, out_hbm,
                idx_v, rows_v, acc_sh, sem_i, sem_d, sem_s):
        c = lax.axis_index("c")
        s = lax.axis_index("s")
        row0 = s * ROWS_PER_TILE
        col0 = c * DC

        def start_load(g, b):
            r = row0 + g * BLK
            pltpu.async_copy(
                seg_hbm.at[pl.ds(r // SUB, NSUB)], idx_v.at[b], sem_i.at[b])
            pltpu.async_copy(
                data_hbm.at[pl.ds(r, BLK), pl.ds(col0, DC)], rows_v.at[b],
                sem_d.at[b])

        def wait_load(b):
            pltpu.make_async_copy(
                seg_hbm.at[pl.ds(0, NSUB)], idx_v.at[b], sem_i.at[b]).wait()
            pltpu.make_async_copy(
                data_hbm.at[pl.ds(0, BLK), pl.ds(col0, DC)], rows_v.at[b],
                sem_d.at[b]).wait()

        start_load(0, 0)
        start_load(1, 1)
        pltpu.sync_copy(zeros_hbm, acc_sh.at[pl.ds(s * SEG_PER_TILE, SEG_PER_TILE)])
        plsc.subcore_barrier()

        def fire_scatters(b):
            for j in range(NSUB):
                pltpu.async_copy(
                    rows_v.at[b, pl.ds(j * SUB, SUB)],
                    acc_sh.at[idx_v.at[b, j]], sem_s.at[b], add=True)

        def drain_scatters(b):
            for j in range(NSUB):
                pltpu.make_async_copy(
                    rows_v.at[b, pl.ds(j * SUB, SUB)],
                    acc_sh.at[idx_v.at[b, j]], sem_s.at[b]).wait()

        def body(g, carry):
            b = lax.rem(g, NBUF)

            @pl.when(g >= 1)
            def _():
                drain_scatters(lax.rem(g + NBUF - 1, NBUF))

            @pl.when(g + 2 < NBLK)
            def _():
                start_load(g + 2, lax.rem(g + 2, NBUF))

            wait_load(b)
            fire_scatters(b)
            return carry

        lax.fori_loop(0, NBLK, body, 0)
        drain_scatters(lax.rem(NBLK - 1, NBUF))
        plsc.subcore_barrier()

        pltpu.sync_copy(
            acc_sh.at[pl.ds(s * SEG_PER_TILE, SEG_PER_TILE)],
            out_hbm.at[pl.ds(s * SEG_PER_TILE, SEG_PER_TILE), pl.ds(col0, DC)],
        )

    return seg_sum


_seg_sum = _make_kernel()


def kernel(data, segment_ids):
    ids = segment_ids.astype(jnp.int32).reshape(N // SUB, SUB)
    zeros = jnp.zeros((SEG_PER_TILE, DC), jnp.float32)
    return _seg_sum(data, ids, zeros)

# --- scband reference (transcript-rebuilt; emitter-appended) ---
"""Pipeline reference for scband-structure-wise-aggregation-3143916061249 (READ-ONLY COPY).

The authoritative reference and input builder live on the scoring server;
editing this copy changes nothing except your own understanding.
"""

import jax, jax.numpy as jnp
import numpy as np

N = 320000
D = 128
NUM_SEGMENTS = 10000

def setup_inputs(seed: int = 0) -> dict:
    key = jax.random.key(seed)
    k1, k2 = jax.random.split(key)
    data = jax.random.normal(k1, (N, D), dtype=jnp.float32)
    segment_ids = jnp.sort(jax.random.randint(k2, (N,), 0, NUM_SEGMENTS, dtype=jnp.int64))
    return {"data": data, "segment_ids": segment_ids}

def reference(data, segment_ids):
    # StructureWiseAggregation with mode='sum', sum_over=['center']:
    # sum_over_samples collapses the 'center' sample dimension, summing all rows
    # (atomic-center contributions) that share the same structure index.
    # This is exactly a segment-sum keyed by the structure id of each row.
    out = jax.ops.segment_sum(data, segment_ids, num_segments=NUM_SEGMENTS)
    return out

if __name__ == "__main__":
    import jax
    _d = setup_inputs()
    print(jax.jit(kernel)(*tuple(_d.values())))

</pallas_src>

<mosaic_0001>
#map = affine_map<(d0, d1) -> (0, 0)>
module attributes {stable_mosaic.version = 14 : i64} {
  func.func @seg_sum(%arg0: i32, %arg1: i32, %arg2: memref<320000x128xf32, #tpu.memory_space<hbm>>, %arg3: memref<3200x100xi32, #tpu.memory_space<hbm>>, %arg4: memref<625x64xf32, #tpu.memory_space<hbm>>, %arg5: memref<10000x128xf32, #tpu.memory_space<hbm>>, %arg6: memref<3x4x100xi32, #tpu.memory_space<vmem>>, %arg7: memref<3x400x64xf32, #tpu.memory_space<vmem>>, %arg8: memref<10000x64xf32, #tpu.memory_space<vmem_shared>>, %arg9: memref<3x!tpu.dma_semaphore, #tpu.memory_space<semaphore_mem>>, %arg10: memref<3x!tpu.dma_semaphore, #tpu.memory_space<semaphore_mem>>, %arg11: memref<3x!tpu.dma_semaphore, #tpu.memory_space<semaphore_mem>>) attributes {dimension_semantics = [#tpu.dimension_semantics<core_parallel>, #tpu.dimension_semantics<subcore_parallel>], iteration_bounds = array<i64: 2, 16>, scalar_prefetch = 0 : i64, scratch_operands = 6 : i64, tpu.core_type = #tpu.core_type<sc_vector_subcore>, window_params = [{transform_indices = #map}, {transform_indices = #map}, {transform_indices = #map}, {transform_indices = #map}]} {
    %mul3A = arith.constant 20000 : i32
    %mul3A_0 = arith.muli %arg1, %mul3A : i32
    %mul3A_1 = arith.constant 64 : i32
    %mul3A_2 = arith.muli %arg0, %mul3A_1 : i32
    %add3A = arith.constant 0 : i32
    %add3A_3 = arith.addi %mul3A_0, %add3A : i32
    %jit3A = arith.constant 100 : i32
    %div3A = arith.divsi %add3A_3, %jit3A : i32
    %sign3A = arith.constant 0 : i32
    %sign3A_4 = arith.cmpi sgt, %add3A_3, %sign3A : i32
    %sign3A_5 = arith.extui %sign3A_4 : i1 to i32
    %sign3A_6 = arith.constant 0 : i32
    %sign3A_7 = arith.cmpi slt, %add3A_3, %sign3A_6 : i32
    %sign3A_8 = arith.extui %sign3A_7 : i1 to i32
    %sign3A_9 = arith.subi %sign3A_5, %sign3A_8 : i32
    %sign3A_10 = arith.constant 0 : i32
    %sign3A_11 = arith.cmpi sgt, %jit3A, %sign3A_10 : i32
    %sign3A_12 = arith.extui %sign3A_11 : i1 to i32
    %sign3A_13 = arith.constant 0 : i32
    %sign3A_14 = arith.cmpi slt, %jit3A, %sign3A_13 : i32
    %sign3A_15 = arith.extui %sign3A_14 : i1 to i32
    %sign3A_16 = arith.subi %sign3A_12, %sign3A_15 : i32
    %ne3A = arith.cmpi ne, %sign3A_9, %sign3A_16 : i32
    %rem3A = arith.remsi %add3A_3, %jit3A : i32
    %ne3A_17 = arith.constant 0 : i32
    %ne3A_18 = arith.cmpi ne, %rem3A, %ne3A_17 : i32
    %and3A = arith.andi %ne3A, %ne3A_18 : i1
    %sub3A = arith.constant 1 : i32
    %sub3A_19 = arith.subi %div3A, %sub3A : i32
    %select_n3A = arith.select %and3A, %sub3A_19, %div3A : i32
    %dma_start3A = arith.constant 0 : i32
    %dma_start3A_20 = arith.constant 0 : i32
    %dma_start3A_21 = arith.constant 0 : i32
    %dma_start3A_22 = arith.constant 0 : i32
    %dma_start3A_23 = tpu.memref_slice %arg6[%dma_start3A, %dma_start3A_21, %dma_start3A_22] : memref<3x4x100xi32, #tpu.memory_space<vmem>> -> memref<1x4x100xi32, #tpu.memory_space<vmem>>
    %dma_start3A_24 = tpu.memref_squeeze %dma_start3A_23 : memref<1x4x100xi32, #tpu.memory_space<vmem>> -> memref<4x100xi32, #tpu.memory_space<vmem>>
    %dma_start3A_25 = arith.constant 0 : i32
    %dma_start3A_26 = tpu.memref_slice %arg3[%select_n3A, %dma_start3A_25] : memref<3200x100xi32, #tpu.memory_space<hbm>> -> memref<4x100xi32, #tpu.memory_space<hbm>>
    %dma_start3A_27 = tpu.memref_slice %arg9[%dma_start3A_20] : memref<3x!tpu.dma_semaphore, #tpu.memory_space<semaphore_mem>> -> memref<1x!tpu.dma_semaphore, #tpu.memory_space<semaphore_mem>>
    %dma_start3A_28 = tpu.memref_squeeze %dma_start3A_27 : memref<1x!tpu.dma_semaphore, #tpu.memory_space<semaphore_mem>> -> memref<!tpu.dma_semaphore, #tpu.memory_space<semaphore_mem>>
    %dma_start3A_29 = arith.constant 0 : i32
    %dma_start3A_30 = arith.constant 0 : i32
    %dma_start3A_31 = tpu.memref_slice %arg6[%dma_start3A, %dma_start3A_29, %dma_start3A_30] : memref<3x4x100xi32, #tpu.memory_space<vmem>> -> memref<1x4x100xi32, #tpu.memory_space<vmem>>
    %dma_start3A_32 = tpu.memref_squeeze %dma_start3A_31 : memref<1x4x100xi32, #tpu.memory_space<vmem>> -> memref<4x100xi32, #tpu.memory_space<vmem>>
    %dma_start3A_33 = arith.constant 0 : i32
    %dma_start3A_34 = tpu.memref_slice %arg3[%select_n3A, %dma_start3A_33] : memref<3200x100xi32, #tpu.memory_space<hbm>> -> memref<4x100xi32, #tpu.memory_space<hbm>>
    tpu.enqueue_dma source(%dma_start3A_34 : memref<4x100xi32, #tpu.memory_space<hbm>>) target(%dma_start3A_32 : memref<4x100xi32, #tpu.memory_space<vmem>>) target_semaphore(%dma_start3A_28 : memref<!tpu.dma_semaphore, #tpu.memory_space<semaphore_mem>>)
    %dma_start3A_35 = arith.constant 0 : i32
    %dma_start3A_36 = arith.constant 0 : i32
    %dma_start3A_37 = arith.constant 0 : i32
    %dma_start3A_38 = arith.constant 0 : i32
    %dma_start3A_39 = tpu.memref_slice %arg7[%dma_start3A_35, %dma_start3A_37, %dma_start3A_38] : memref<3x400x64xf32, #tpu.memory_space<vmem>> -> memref<1x400x64xf32, #tpu.memory_space<vmem>>
    %dma_start3A_40 = tpu.memref_squeeze %dma_start3A_39 : memref<1x400x64xf32, #tpu.memory_space<vmem>> -> memref<400x64xf32, #tpu.memory_space<vmem>>
    %dma_start3A_41 = tpu.memref_slice %arg2[%add3A_3, %mul3A_2] : memref<320000x128xf32, #tpu.memory_space<hbm>> -> memref<400x64xf32, #tpu.memory_space<hbm>>
    %dma_start3A_42 = tpu.memref_slice %arg10[%dma_start3A_36] : memref<3x!tpu.dma_semaphore, #tpu.memory_space<semaphore_mem>> -> memref<1x!tpu.dma_semaphore, #tpu.memory_space<semaphore_mem>>
    %dma_start3A_43 = tpu.memref_squeeze %dma_start3A_42 : memref<1x!tpu.dma_semaphore, #tpu.memory_space<semaphore_mem>> -> memref<!tpu.dma_semaphore, #tpu.memory_space<semaphore_mem>>
    %dma_start3A_44 = arith.constant 0 : i32
    %dma_start3A_45 = arith.constant 0 : i32
    %dma_start3A_46 = tpu.memref_slice %arg7[%dma_start3A_35, %dma_start3A_44, %dma_start3A_45] : memref<3x400x64xf32, #tpu.memory_space<vmem>> -> memref<1x400x64xf32, #tpu.memory_space<vmem>>
    %dma_start3A_47 = tpu.memref_squeeze %dma_start3A_46 : memref<1x400x64xf32, #tpu.memory_space<vmem>> -> memref<400x64xf32, #tpu.memory_space<vmem>>
    %dma_start3A_48 = tpu.memref_slice %arg2[%add3A_3, %mul3A_2] : memref<320000x128xf32, #tpu.memory_space<hbm>> -> memref<400x64xf32, #tpu.memory_space<hbm>>
    tpu.enqueue_dma source(%dma_start3A_48 : memref<400x64xf32, #tpu.memory_space<hbm>>) target(%dma_start3A_47 : memref<400x64xf32, #tpu.memory_space<vmem>>) target_semaphore(%dma_start3A_43 : memref<!tpu.dma_semaphore, #tpu.memory_space<semaphore_mem>>)
    %add3A_49 = arith.constant 400 : i32
    %add3A_50 = arith.addi %mul3A_0, %add3A_49 : i32
    %jit3A_51 = arith.constant 100 : i32
    %div3A_52 = arith.divsi %add3A_50, %jit3A_51 : i32
    %sign3A_53 = arith.constant 0 : i32
    %sign3A_54 = arith.cmpi sgt, %add3A_50, %sign3A_53 : i32
    %sign3A_55 = arith.extui %sign3A_54 : i1 to i32
    %sign3A_56 = arith.constant 0 : i32
    %sign3A_57 = arith.cmpi slt, %add3A_50, %sign3A_56 : i32
    %sign3A_58 = arith.extui %sign3A_57 : i1 to i32
    %sign3A_59 = arith.subi %sign3A_55, %sign3A_58 : i32
    %sign3A_60 = arith.constant 0 : i32
    %sign3A_61 = arith.cmpi sgt, %jit3A_51, %sign3A_60 : i32
    %sign3A_62 = arith.extui %sign3A_61 : i1 to i32
    %sign3A_63 = arith.constant 0 : i32
    %sign3A_64 = arith.cmpi slt, %jit3A_51, %sign3A_63 : i32
    %sign3A_65 = arith.extui %sign3A_64 : i1 to i32
    %sign3A_66 = arith.subi %sign3A_62, %sign3A_65 : i32
    %ne3A_67 = arith.cmpi ne, %sign3A_59, %sign3A_66 : i32
    %rem3A_68 = arith.remsi %add3A_50, %jit3A_51 : i32
    %ne3A_69 = arith.constant 0 : i32
    %ne3A_70 = arith.cmpi ne, %rem3A_68, %ne3A_69 : i32
    %and3A_71 = arith.andi %ne3A_67, %ne3A_70 : i1
    %sub3A_72 = arith.constant 1 : i32
    %sub3A_73 = arith.subi %div3A_52, %sub3A_72 : i32
    %select_n3A_74 = arith.select %and3A_71, %sub3A_73, %div3A_52 : i32
    %dma_start3A_75 = arith.constant 1 : i32
    %dma_start3A_76 = arith.constant 1 : i32
    %dma_start3A_77 = arith.constant 0 : i32
    %dma_start3A_78 = arith.constant 0 : i32
    %dma_start3A_79 = tpu.memref_slice %arg6[%dma_start3A_75, %dma_start3A_77, %dma_start3A_78] : memref<3x4x100xi32, #tpu.memory_space<vmem>> -> memref<1x4x100xi32, #tpu.memory_space<vmem>>
    %dma_start3A_80 = tpu.memref_squeeze %dma_start3A_79 : memref<1x4x100xi32, #tpu.memory_space<vmem>> -> memref<4x100xi32, #tpu.memory_space<vmem>>
    %dma_start3A_81 = arith.constant 0 : i32
    %dma_start3A_82 = tpu.memref_slice %arg3[%select_n3A_74, %dma_start3A_81] : memref<3200x100xi32, #tpu.memory_space<hbm>> -> memref<4x100xi32, #tpu.memory_space<hbm>>
    %dma_start3A_83 = tpu.memref_slice %arg9[%dma_start3A_76] : memref<3x!tpu.dma_semaphore, #tpu.memory_space<semaphore_mem>> -> memref<1x!tpu.dma_semaphore, #tpu.memory_space<semaphore_mem>>
    %dma_start3A_84 = tpu.memref_squeeze %dma_start3A_83 : memref<1x!tpu.dma_semaphore, #tpu.memory_space<semaphore_mem>> -> memref<!tpu.dma_semaphore, #tpu.memory_space<semaphore_mem>>
    %dma_start3A_85 = arith.constant 0 : i32
    %dma_start3A_86 = arith.constant 0 : i32
    %dma_start3A_87 = tpu.memref_slice %arg6[%dma_start3A_75, %dma_start3A_85, %dma_start3A_86] : memref<3x4x100xi32, #tpu.memory_space<vmem>> -> memref<1x4x100xi32, #tpu.memory_space<vmem>>
    %dma_start3A_88 = tpu.memref_squeeze %dma_start3A_87 : memref<1x4x100xi32, #tpu.memory_space<vmem>> -> memref<4x100xi32, #tpu.memory_space<vmem>>
    %dma_start3A_89 = arith.constant 0 : i32
    %dma_start3A_90 = tpu.memref_slice %arg3[%select_n3A_74, %dma_start3A_89] : memref<3200x100xi32, #tpu.memory_space<hbm>> -> memref<4x100xi32, #tpu.memory_space<hbm>>
    tpu.enqueue_dma source(%dma_start3A_90 : memref<4x100xi32, #tpu.memory_space<hbm>>) target(%dma_start3A_88 : memref<4x100xi32, #tpu.memory_space<vmem>>) target_semaphore(%dma_start3A_84 : memref<!tpu.dma_semaphore, #tpu.memory_space<semaphore_mem>>)
    %dma_start3A_91 = arith.constant 1 : i32
    %dma_start3A_92 = arith.constant 1 : i32
    %dma_start3A_93 = arith.constant 0 : i32
    %dma_start3A_94 = arith.constant 0 : i32
    %dma_start3A_95 = tpu.memref_slice %arg7[%dma_start3A_91, %dma_start3A_93, %dma_start3A_94] : memref<3x400x64xf32, #tpu.memory_space<vmem>> -> memref<1x400x64xf32, #tpu.memory_space<vmem>>
    %dma_start3A_96 = tpu.memref_squeeze %dma_start3A_95 : memref<1x400x64xf32, #tpu.memory_space<vmem>> -> memref<400x64xf32, #tpu.memory_space<vmem>>
    %dma_start3A_97 = tpu.memref_slice %arg2[%add3A_50, %mul3A_2] : memref<320000x128xf32, #tpu.memory_space<hbm>> -> memref<400x64xf32, #tpu.memory_space<hbm>>
    %dma_start3A_98 = tpu.memref_slice %arg10[%dma_start3A_92] : memref<3x!tpu.dma_semaphore, #tpu.memory_space<semaphore_mem>> -> memref<1x!tpu.dma_semaphore, #tpu.memory_space<semaphore_mem>>
    %dma_start3A_99 = tpu.memref_squeeze %dma_start3A_98 : memref<1x!tpu.dma_semaphore, #tpu.memory_space<semaphore_mem>> -> memref<!tpu.dma_semaphore, #tpu.memory_space<semaphore_mem>>
    %dma_start3A_100 = arith.constant 0 : i32
    %dma_start3A_101 = arith.constant 0 : i32
    %dma_start3A_102 = tpu.memref_slice %arg7[%dma_start3A_91, %dma_start3A_100, %dma_start3A_101] : memref<3x400x64xf32, #tpu.memory_space<vmem>> -> memref<1x400x64xf32, #tpu.memory_space<vmem>>
    %dma_start3A_103 = tpu.memref_squeeze %dma_start3A_102 : memref<1x400x64xf32, #tpu.memory_space<vmem>> -> memref<400x64xf32, #tpu.memory_space<vmem>>
    %dma_start3A_104 = tpu.memref_slice %arg2[%add3A_50, %mul3A_2] : memref<320000x128xf32, #tpu.memory_space<hbm>> -> memref<400x64xf32, #tpu.memory_space<hbm>>
    tpu.enqueue_dma source(%dma_start3A_104 : memref<400x64xf32, #tpu.memory_space<hbm>>) target(%dma_start3A_103 : memref<400x64xf32, #tpu.memory_space<vmem>>) target_semaphore(%dma_start3A_99 : memref<!tpu.dma_semaphore, #tpu.memory_space<semaphore_mem>>)
    %mul3A_105 = arith.constant 625 : i32
    %mul3A_106 = arith.muli %arg1, %mul3A_105 : i32
    "tpu.region"() ({
      %run_scoped3A = tpu.sem_alloc : memref<!tpu.dma_semaphore, #tpu.memory_space<semaphore_mem>>
      %dma_start3A_171 = arith.constant 0 : i32
      %dma_start3A_172 = tpu.memref_slice %arg8[%mul3A_106, %dma_start3A_171] : memref<10000x64xf32, #tpu.memory_space<vmem_shared>> -> memref<625x64xf32, #tpu.memory_space<vmem_shared>>
      tpu.enqueue_dma source(%arg4 : memref<625x64xf32, #tpu.memory_space<hbm>>) target(%dma_start3A_172 : memref<625x64xf32, #tpu.memory_space<vmem_shared>>) target_semaphore(%run_scoped3A : memref<!tpu.dma_semaphore, #tpu.memory_space<semaphore_mem>>)
      %dma_wait3A_173 = arith.constant 0 : i32
      %dma_wait3A_174 = tpu.memref_slice %arg8[%mul3A_106, %dma_wait3A_173] : memref<10000x64xf32, #tpu.memory_space<vmem_shared>> -> memref<625x64xf32, #tpu.memory_space<vmem_shared>>
      tpu.wait_dma2 semaphore(%run_scoped3A : memref<!tpu.dma_semaphore, #tpu.memory_space<semaphore_mem>>) src(%arg4 : memref<625x64xf32, #tpu.memory_space<hbm>>) dst(%dma_wait3A_174 : memref<625x64xf32, #tpu.memory_space<vmem_shared>>)
      tpu.yield
    }) : () -> ()
    %barrier3A = arith.constant 0 : index
    tpu.barrier barrier_id(%barrier3A)
    %scan3A = arith.constant 0 : i32
    %scan3A_107 = arith.constant 0 : i32
    %scan3A_108 = arith.constant 50 : i32
    %scan3A_109 = arith.addi %scan3A_107, %scan3A_108 : i32
    %scan3A_110 = arith.constant 1 : i32
    scf.for %scan3A_171 = %scan3A_107 to %scan3A_109 step %scan3A_110  : i32 {
      %rem3A_172 = arith.constant 3 : i32
      %rem3A_173 = arith.remsi %scan3A_171, %rem3A_172 : i32
      %ge3A = arith.constant 1 : i32
      %ge3A_174 = arith.cmpi sge, %scan3A_171, %ge3A : i32
      %convert_element_type3A = arith.extui %ge3A_174 : i1 to i32
      %cond3A = arith.constant 0 : i32
      %cond3A_175 = arith.cmpi ne, %convert_element_type3A, %cond3A : i32
      scf.if %cond3A_175 {
        %add3A_264 = arith.constant 3 : i32
        %add3A_265 = arith.addi %scan3A_171, %add3A_264 : i32
        %sub3A_266 = arith.constant 1 : i32
        %sub3A_267 = arith.subi %add3A_265, %sub3A_266 : i32
        %rem3A_268 = arith.constant 3 : i32
        %rem3A_269 = arith.remsi %sub3A_267, %rem3A_268 : i32
        %dma_wait3A_270 = arith.constant 0 : i32
        %dma_wait3A_271 = arith.constant 0 : i32
        %dma_wait3A_272 = arith.constant 0 : i32
        %dma_wait3A_273 = tpu.memref_slice %arg7[%rem3A_269, %dma_wait3A_271, %dma_wait3A_272] : memref<3x400x64xf32, #tpu.memory_space<vmem>> -> memref<1x100x64xf32, #tpu.memory_space<vmem>>
        %dma_wait3A_274 = tpu.memref_squeeze %dma_wait3A_273 : memref<1x100x64xf32, #tpu.memory_space<vmem>> -> memref<100x64xf32, #tpu.memory_space<vmem>>
        %dma_wait3A_275 = arith.constant 0 : i32
        %dma_wait3A_276 = tpu.memref_slice %arg6[%rem3A_269, %dma_wait3A_270, %dma_wait3A_275] : memref<3x4x100xi32, #tpu.memory_space<vmem>> -> memref<1x1x100xi32, #tpu.memory_space<vmem>>
        %dma_wait3A_277 = tpu.memref_squeeze %dma_wait3A_276 : memref<1x1x100xi32, #tpu.memory_space<vmem>> -> memref<100xi32, #tpu.memory_space<vmem>>
        %dma_wait3A_278 = arith.constant 0 : i32
        %dma_wait3A_279 = arith.constant 0 : i32
        %dma_wait3A_280 = tpu.memref_slice %arg8[%dma_wait3A_278, %dma_wait3A_279] : memref<10000x64xf32, #tpu.memory_space<vmem_shared>> -> memref<10000x64xf32, #tpu.memory_space<vmem_shared>>
        %dma_wait3A_281 = tpu.memref_slice %arg11[%rem3A_269] : memref<3x!tpu.dma_semaphore, #tpu.memory_space<semaphore_mem>> -> memref<1x!tpu.dma_semaphore, #tpu.memory_space<semaphore_mem>>
        %dma_wait3A_282 = tpu.memref_squeeze %dma_wait3A_281 : memref<1x!tpu.dma_semaphore, #tpu.memory_space<semaphore_mem>> -> memref<!tpu.dma_semaphore, #tpu.memory_space<semaphore_mem>>
        tpu.wait_indirect_dma semaphore(%dma_wait3A_282 : memref<!tpu.dma_semaphore, #tpu.memory_space<semaphore_mem>>) src(%dma_wait3A_274 : memref<100x64xf32, #tpu.memory_space<vmem>>) dst(%dma_wait3A_280 : memref<10000x64xf32, #tpu.memory_space<vmem_shared>>)
        %dma_wait3A_283 = arith.constant 1 : i32
        %dma_wait3A_284 = arith.constant 100 : i32
        %dma_wait3A_285 = arith.constant 0 : i32
        %dma_wait3A_286 = tpu.memref_slice %arg7[%rem3A_269, %dma_wait3A_284, %dma_wait3A_285] : memref<3x400x64xf32, #tpu.memory_space<vmem>> -> memref<1x100x64xf32, #tpu.memory_space<vmem>>
        %dma_wait3A_287 = tpu.memref_squeeze %dma_wait3A_286 : memref<1x100x64xf32, #tpu.memory_space<vmem>> -> memref<100x64xf32, #tpu.memory_space<vmem>>
        %dma_wait3A_288 = arith.constant 0 : i32
        %dma_wait3A_289 = tpu.memref_slice %arg6[%rem3A_269, %dma_wait3A_283, %dma_wait3A_288] : memref<3x4x100xi32, #tpu.memory_space<vmem>> -> memref<1x1x100xi32, #tpu.memory_space<vmem>>
        %dma_wait3A_290 = tpu.memref_squeeze %dma_wait3A_289 : memref<1x1x100xi32, #tpu.memory_space<vmem>> -> memref<100xi32, #tpu.memory_space<vmem>>
        %dma_wait3A_291 = arith.constant 0 : i32
        %dma_wait3A_292 = arith.constant 0 : i32
        %dma_wait3A_293 = tpu.memref_slice %arg8[%dma_wait3A_291, %dma_wait3A_292] : memref<10000x64xf32, #tpu.memory_space<vmem_shared>> -> memref<10000x64xf32, #tpu.memory_space<vmem_shared>>
        %dma_wait3A_294 = tpu.memref_slice %arg11[%rem3A_269] : memref<3x!tpu.dma_semaphore, #tpu.memory_space<semaphore_mem>> -> memref<1x!tpu.dma_semaphore, #tpu.memory_space<semaphore_mem>>
        %dma_wait3A_295 = tpu.memref_squeeze %dma_wait3A_294 : memref<1x!tpu.dma_semaphore, #tpu.memory_space<semaphore_mem>> -> memref<!tpu.dma_semaphore, #tpu.memory_space<semaphore_mem>>
        tpu.wait_indirect_dma semaphore(%dma_wait3A_295 : memref<!tpu.dma_semaphore, #tpu.memory_space<semaphore_mem>>) src(%dma_wait3A_287 : memref<100x64xf32, #tpu.memory_space<vmem>>) dst(%dma_wait3A_293 : memref<10000x64xf32, #tpu.memory_space<vmem_shared>>)
        %dma_wait3A_296 = arith.constant 2 : i32
        %dma_wait3A_297 = arith.constant 200 : i32
        %dma_wait3A_298 = arith.constant 0 : i32
        %dma_wait3A_299 = tpu.memref_slice %arg7[%rem3A_269, %dma_wait3A_297, %dma_wait3A_298] : memref<3x400x64xf32, #tpu.memory_space<vmem>> -> memref<1x100x64xf32, #tpu.memory_space<vmem>>
        %dma_wait3A_300 = tpu.memref_squeeze %dma_wait3A_299 : memref<1x100x64xf32, #tpu.memory_space<vmem>> -> memref<100x64xf32, #tpu.memory_space<vmem>>
        %dma_wait3A_301 = arith.constant 0 : i32
        %dma_wait3A_302 = tpu.memref_slice %arg6[%rem3A_269, %dma_wait3A_296, %dma_wait3A_301] : memref<3x4x100xi32, #tpu.memory_space<vmem>> -> memref<1x1x100xi32, #tpu.memory_space<vmem>>
        %dma_wait3A_303 = tpu.memref_squeeze %dma_wait3A_302 : memref<1x1x100xi32, #tpu.memory_space<vmem>> -> memref<100xi32, #tpu.memory_space<vmem>>
        %dma_wait3A_304 = arith.constant 0 : i32
        %dma_wait3A_305 = arith.constant 0 : i32
        %dma_wait3A_306 = tpu.memref_slice %arg8[%dma_wait3A_304, %dma_wait3A_305] : memref<10000x64xf32, #tpu.memory_space<vmem_shared>> -> memref<10000x64xf32, #tpu.memory_space<vmem_shared>>
        %dma_wait3A_307 = tpu.memref_slice %arg11[%rem3A_269] : memref<3x!tpu.dma_semaphore, #tpu.memory_space<semaphore_mem>> -> memref<1x!tpu.dma_semaphore, #tpu.memory_space<semaphore_mem>>
        %dma_wait3A_308 = tpu.memref_squeeze %dma_wait3A_307 : memref<1x!tpu.dma_semaphore, #tpu.memory_space<semaphore_mem>> -> memref<!tpu.dma_semaphore, #tpu.memory_space<semaphore_mem>>
        tpu.wait_indirect_dma semaphore(%dma_wait3A_308 : memref<!tpu.dma_semaphore, #tpu.memory_space<semaphore_mem>>) src(%dma_wait3A_300 : memref<100x64xf32, #tpu.memory_space<vmem>>) dst(%dma_wait3A_306 : memref<10000x64xf32, #tpu.memory_space<vmem_shared>>)
        %dma_wait3A_309 = arith.constant 3 : i32
        %dma_wait3A_310 = arith.constant 300 : i32
        %dma_wait3A_311 = arith.constant 0 : i32
        %dma_wait3A_312 = tpu.memref_slice %arg7[%rem3A_269, %dma_wait3A_310, %dma_wait3A_311] : memref<3x400x64xf32, #tpu.memory_space<vmem>> -> memref<1x100x64xf32, #tpu.memory_space<vmem>>
        %dma_wait3A_313 = tpu.memref_squeeze %dma_wait3A_312 : memref<1x100x64xf32, #tpu.memory_space<vmem>> -> memref<100x64xf32, #tpu.memory_space<vmem>>
        %dma_wait3A_314 = arith.constant 0 : i32
        %dma_wait3A_315 = tpu.memref_slice %arg6[%rem3A_269, %dma_wait3A_309, %dma_wait3A_314] : memref<3x4x100xi32, #tpu.memory_space<vmem>> -> memref<1x1x100xi32, #tpu.memory_space<vmem>>
        %dma_wait3A_316 = tpu.memref_squeeze %dma_wait3A_315 : memref<1x1x100xi32, #tpu.memory_space<vmem>> -> memref<100xi32, #tpu.memory_space<vmem>>
        %dma_wait3A_317 = arith.constant 0 : i32
        %dma_wait3A_318 = arith.constant 0 : i32
        %dma_wait3A_319 = tpu.memref_slice %arg8[%dma_wait3A_317, %dma_wait3A_318] : memref<10000x64xf32, #tpu.memory_space<vmem_shared>> -> memref<10000x64xf32, #tpu.memory_space<vmem_shared>>
        %dma_wait3A_320 = tpu.memref_slice %arg11[%rem3A_269] : memref<3x!tpu.dma_semaphore, #tpu.memory_space<semaphore_mem>> -> memref<1x!tpu.dma_semaphore, #tpu.memory_space<semaphore_mem>>
        %dma_wait3A_321 = tpu.memref_squeeze %dma_wait3A_320 : memref<1x!tpu.dma_semaphore, #tpu.memory_space<semaphore_mem>> -> memref<!tpu.dma_semaphore, #tpu.memory_space<semaphore_mem>>
        tpu.wait_indirect_dma semaphore(%dma_wait3A_321 : memref<!tpu.dma_semaphore, #tpu.memory_space<semaphore_mem>>) src(%dma_wait3A_313 : memref<100x64xf32, #tpu.memory_space<vmem>>) dst(%dma_wait3A_319 : memref<10000x64xf32, #tpu.memory_space<vmem_shared>>)
      } else {
      }
      %add3A_176 = arith.constant 2 : i32
      %add3A_177 = arith.addi %scan3A_171, %add3A_176 : i32
      %lt3A = arith.constant 50 : i32
      %lt3A_178 = arith.cmpi slt, %add3A_177, %lt3A : i32
      %convert_element_type3A_179 = arith.extui %lt3A_178 : i1 to i32
      %cond3A_180 = arith.constant 0 : i32
      %cond3A_181 = arith.cmpi ne, %convert_element_type3A_179, %cond3A_180 : i32
      scf.if %cond3A_181 {
        %add3A_264 = arith.constant 2 : i32
        %add3A_265 = arith.addi %scan3A_171, %add3A_264 : i32
        %add3A_266 = arith.constant 2 : i32
        %add3A_267 = arith.addi %scan3A_171, %add3A_266 : i32
        %rem3A_268 = arith.constant 3 : i32
        %rem3A_269 = arith.remsi %add3A_267, %rem3A_268 : i32
        %mul3A_270 = arith.constant 400 : i32
        %mul3A_271 = arith.muli %add3A_265, %mul3A_270 : i32
        %add3A_272 = arith.addi %mul3A_0, %mul3A_271 : i32
        %jit3A_273 = arith.constant 100 : i32
        %div3A_274 = arith.divsi %add3A_272, %jit3A_273 : i32
        %sign3A_275 = arith.constant 0 : i32
        %sign3A_276 = arith.cmpi sgt, %add3A_272, %sign3A_275 : i32
        %sign3A_277 = arith.extui %sign3A_276 : i1 to i32
        %sign3A_278 = arith.constant 0 : i32
        %sign3A_279 = arith.cmpi slt, %add3A_272, %sign3A_278 : i32
        %sign3A_280 = arith.extui %sign3A_279 : i1 to i32
        %sign3A_281 = arith.subi %sign3A_277, %sign3A_280 : i32
        %sign3A_282 = arith.constant 0 : i32
        %sign3A_283 = arith.cmpi sgt, %jit3A_273, %sign3A_282 : i32
        %sign3A_284 = arith.extui %sign3A_283 : i1 to i32
        %sign3A_285 = arith.constant 0 : i32
        %sign3A_286 = arith.cmpi slt, %jit3A_273, %sign3A_285 : i32
        %sign3A_287 = arith.extui %sign3A_286 : i1 to i32
        %sign3A_288 = arith.subi %sign3A_284, %sign3A_287 : i32
        %ne3A_289 = arith.cmpi ne, %sign3A_281, %sign3A_288 : i32
        %rem3A_290 = arith.remsi %add3A_272, %jit3A_273 : i32
        %ne3A_291 = arith.constant 0 : i32
        %ne3A_292 = arith.cmpi ne, %rem3A_290, %ne3A_291 : i32
        %and3A_293 = arith.andi %ne3A_289, %ne3A_292 : i1
        %sub3A_294 = arith.constant 1 : i32
        %sub3A_295 = arith.subi %div3A_274, %sub3A_294 : i32
        %select_n3A_296 = arith.select %and3A_293, %sub3A_295, %div3A_274 : i32
        %dma_start3A_297 = arith.constant 0 : i32
        %dma_start3A_298 = arith.constant 0 : i32
        %dma_start3A_299 = tpu.memref_slice %arg6[%rem3A_269, %dma_start3A_297, %dma_start3A_298] : memref<3x4x100xi32, #tpu.memory_space<vmem>> -> memref<1x4x100xi32, #tpu.memory_space<vmem>>
        %dma_start3A_300 = tpu.memref_squeeze %dma_start3A_299 : memref<1x4x100xi32, #tpu.memory_space<vmem>> -> memref<4x100xi32, #tpu.memory_space<vmem>>
        %dma_start3A_301 = arith.constant 0 : i32
        %dma_start3A_302 = tpu.memref_slice %arg3[%select_n3A_296, %dma_start3A_301] : memref<3200x100xi32, #tpu.memory_space<hbm>> -> memref<4x100xi32, #tpu.memory_space<hbm>>
        %dma_start3A_303 = tpu.memref_slice %arg9[%rem3A_269] : memref<3x!tpu.dma_semaphore, #tpu.memory_space<semaphore_mem>> -> memref<1x!tpu.dma_semaphore, #tpu.memory_space<semaphore_mem>>
        %dma_start3A_304 = tpu.memref_squeeze %dma_start3A_303 : memref<1x!tpu.dma_semaphore, #tpu.memory_space<semaphore_mem>> -> memref<!tpu.dma_semaphore, #tpu.memory_space<semaphore_mem>>
        %dma_start3A_305 = arith.constant 0 : i32
        %dma_start3A_306 = arith.constant 0 : i32
        %dma_start3A_307 = tpu.memref_slice %arg6[%rem3A_269, %dma_start3A_305, %dma_start3A_306] : memref<3x4x100xi32, #tpu.memory_space<vmem>> -> memref<1x4x100xi32, #tpu.memory_space<vmem>>
        %dma_start3A_308 = tpu.memref_squeeze %dma_start3A_307 : memref<1x4x100xi32, #tpu.memory_space<vmem>> -> memref<4x100xi32, #tpu.memory_space<vmem>>
        %dma_start3A_309 = arith.constant 0 : i32
        %dma_start3A_310 = tpu.memref_slice %arg3[%select_n3A_296, %dma_start3A_309] : memref<3200x100xi32, #tpu.memory_space<hbm>> -> memref<4x100xi32, #tpu.memory_space<hbm>>
        tpu.enqueue_dma source(%dma_start3A_310 : memref<4x100xi32, #tpu.memory_space<hbm>>) target(%dma_start3A_308 : memref<4x100xi32, #tpu.memory_space<vmem>>) target_semaphore(%dma_start3A_304 : memref<!tpu.dma_semaphore, #tpu.memory_space<semaphore_mem>>)
        %dma_start3A_311 = arith.constant 0 : i32
        %dma_start3A_312 = arith.constant 0 : i32
        %dma_start3A_313 = tpu.memref_slice %arg7[%rem3A_269, %dma_start3A_311, %dma_start3A_312] : memref<3x400x64xf32, #tpu.memory_space<vmem>> -> memref<1x400x64xf32, #tpu.memory_space<vmem>>
        %dma_start3A_314 = tpu.memref_squeeze %dma_start3A_313 : memref<1x400x64xf32, #tpu.memory_space<vmem>> -> memref<400x64xf32, #tpu.memory_space<vmem>>
        %dma_start3A_315 = tpu.memref_slice %arg2[%add3A_272, %mul3A_2] : memref<320000x128xf32, #tpu.memory_space<hbm>> -> memref<400x64xf32, #tpu.memory_space<hbm>>
        %dma_start3A_316 = tpu.memref_slice %arg10[%rem3A_269] : memref<3x!tpu.dma_semaphore, #tpu.memory_space<semaphore_mem>> -> memref<1x!tpu.dma_semaphore, #tpu.memory_space<semaphore_mem>>
        %dma_start3A_317 = tpu.memref_squeeze %dma_start3A_316 : memref<1x!tpu.dma_semaphore, #tpu.memory_space<semaphore_mem>> -> memref<!tpu.dma_semaphore, #tpu.memory_space<semaphore_mem>>
        %dma_start3A_318 = arith.constant 0 : i32
        %dma_start3A_319 = arith.constant 0 : i32
        %dma_start3A_320 = tpu.memref_slice %arg7[%rem3A_269, %dma_start3A_318, %dma_start3A_319] : memref<3x400x64xf32, #tpu.memory_space<vmem>> -> memref<1x400x64xf32, #tpu.memory_space<vmem>>
        %dma_start3A_321 = tpu.memref_squeeze %dma_start3A_320 : memref<1x400x64xf32, #tpu.memory_space<vmem>> -> memref<400x64xf32, #tpu.memory_space<vmem>>
        %dma_start3A_322 = tpu.memref_slice %arg2[%add3A_272, %mul3A_2] : memref<320000x128xf32, #tpu.memory_space<hbm>> -> memref<400x64xf32, #tpu.memory_space<hbm>>
        tpu.enqueue_dma source(%dma_start3A_322 : memref<400x64xf32, #tpu.memory_space<hbm>>) target(%dma_start3A_321 : memref<400x64xf32, #tpu.memory_space<vmem>>) target_semaphore(%dma_start3A_317 : memref<!tpu.dma_semaphore, #tpu.memory_space<semaphore_mem>>)
      } else {
      }
      %dma_wait3A_182 = arith.constant 0 : i32
      %dma_wait3A_183 = arith.constant 0 : i32
      %dma_wait3A_184 = tpu.memref_slice %arg6[%rem3A_173, %dma_wait3A_182, %dma_wait3A_183] : memref<3x4x100xi32, #tpu.memory_space<vmem>> -> memref<1x4x100xi32, #tpu.memory_space<vmem>>
      %dma_wait3A_185 = tpu.memref_squeeze %dma_wait3A_184 : memref<1x4x100xi32, #tpu.memory_space<vmem>> -> memref<4x100xi32, #tpu.memory_space<vmem>>
      %dma_wait3A_186 = arith.constant 0 : i32
      %dma_wait3A_187 = arith.constant 0 : i32
      %dma_wait3A_188 = tpu.memref_slice %arg3[%dma_wait3A_186, %dma_wait3A_187] : memref<3200x100xi32, #tpu.memory_space<hbm>> -> memref<4x100xi32, #tpu.memory_space<hbm>>
      %dma_wait3A_189 = tpu.memref_slice %arg9[%rem3A_173] : memref<3x!tpu.dma_semaphore, #tpu.memory_space<semaphore_mem>> -> memref<1x!tpu.dma_semaphore, #tpu.memory_space<semaphore_mem>>
      %dma_wait3A_190 = tpu.memref_squeeze %dma_wait3A_189 : memref<1x!tpu.dma_semaphore, #tpu.memory_space<semaphore_mem>> -> memref<!tpu.dma_semaphore, #tpu.memory_space<semaphore_mem>>
      %dma_wait3A_191 = arith.constant 0 : i32
      %dma_wait3A_192 = arith.constant 0 : i32
      %dma_wait3A_193 = tpu.memref_slice %arg6[%rem3A_173, %dma_wait3A_191, %dma_wait3A_192] : memref<3x4x100xi32, #tpu.memory_space<vmem>> -> memref<1x4x100xi32, #tpu.memory_space<vmem>>
      %dma_wait3A_194 = tpu.memref_squeeze %dma_wait3A_193 : memref<1x4x100xi32, #tpu.memory_space<vmem>> -> memref<4x100xi32, #tpu.memory_space<vmem>>
      %dma_wait3A_195 = arith.constant 0 : i32
      %dma_wait3A_196 = arith.constant 0 : i32
      %dma_wait3A_197 = tpu.memref_slice %arg3[%dma_wait3A_195, %dma_wait3A_196] : memref<3200x100xi32, #tpu.memory_space<hbm>> -> memref<4x100xi32, #tpu.memory_space<hbm>>
      tpu.wait_dma2 semaphore(%dma_wait3A_190 : memref<!tpu.dma_semaphore, #tpu.memory_space<semaphore_mem>>) src(%dma_wait3A_197 : memref<4x100xi32, #tpu.memory_space<hbm>>) dst(%dma_wait3A_194 : memref<4x100xi32, #tpu.memory_space<vmem>>)
      %dma_wait3A_198 = arith.constant 0 : i32
      %dma_wait3A_199 = arith.constant 0 : i32
      %dma_wait3A_200 = tpu.memref_slice %arg7[%rem3A_173, %dma_wait3A_198, %dma_wait3A_199] : memref<3x400x64xf32, #tpu.memory_space<vmem>> -> memref<1x400x64xf32, #tpu.memory_space<vmem>>
      %dma_wait3A_201 = tpu.memref_squeeze %dma_wait3A_200 : memref<1x400x64xf32, #tpu.memory_space<vmem>> -> memref<400x64xf32, #tpu.memory_space<vmem>>
      %dma_wait3A_202 = arith.constant 0 : i32
      %dma_wait3A_203 = tpu.memref_slice %arg2[%dma_wait3A_202, %mul3A_2] : memref<320000x128xf32, #tpu.memory_space<hbm>> -> memref<400x64xf32, #tpu.memory_space<hbm>>
      %dma_wait3A_204 = tpu.memref_slice %arg10[%rem3A_173] : memref<3x!tpu.dma_semaphore, #tpu.memory_space<semaphore_mem>> -> memref<1x!tpu.dma_semaphore, #tpu.memory_space<semaphore_mem>>
      %dma_wait3A_205 = tpu.memref_squeeze %dma_wait3A_204 : memref<1x!tpu.dma_semaphore, #tpu.memory_space<semaphore_mem>> -> memref<!tpu.dma_semaphore, #tpu.memory_space<semaphore_mem>>
      %dma_wait3A_206 = arith.constant 0 : i32
      %dma_wait3A_207 = arith.constant 0 : i32
      %dma_wait3A_208 = tpu.memref_slice %arg7[%rem3A_173, %dma_wait3A_206, %dma_wait3A_207] : memref<3x400x64xf32, #tpu.memory_space<vmem>> -> memref<1x400x64xf32, #tpu.memory_space<vmem>>
      %dma_wait3A_209 = tpu.memref_squeeze %dma_wait3A_208 : memref<1x400x64xf32, #tpu.memory_space<vmem>> -> memref<400x64xf32, #tpu.memory_space<vmem>>
      %dma_wait3A_210 = arith.constant 0 : i32
      %dma_wait3A_211 = tpu.memref_slice %arg2[%dma_wait3A_210, %mul3A_2] : memref<320000x128xf32, #tpu.memory_space<hbm>> -> memref<400x64xf32, #tpu.memory_space<hbm>>
      tpu.wait_dma2 semaphore(%dma_wait3A_205 : memref<!tpu.dma_semaphore, #tpu.memory_space<semaphore_mem>>) src(%dma_wait3A_211 : memref<400x64xf32, #tpu.memory_space<hbm>>) dst(%dma_wait3A_209 : memref<400x64xf32, #tpu.memory_space<vmem>>)
      %dma_start3A_212 = arith.constant 0 : i32
      %dma_start3A_213 = arith.constant 0 : i32
      %dma_start3A_214 = arith.constant 0 : i32
      %dma_start3A_215 = tpu.memref_slice %arg7[%rem3A_173, %dma_start3A_213, %dma_start3A_214] : memref<3x400x64xf32, #tpu.memory_space<vmem>> -> memref<1x100x64xf32, #tpu.memory_space<vmem>>
      %dma_start3A_216 = tpu.memref_squeeze %dma_start3A_215 : memref<1x100x64xf32, #tpu.memory_space<vmem>> -> memref<100x64xf32, #tpu.memory_space<vmem>>
      %dma_start3A_217 = arith.constant 0 : i32
      %dma_start3A_218 = tpu.memref_slice %arg6[%rem3A_173, %dma_start3A_212, %dma_start3A_217] : memref<3x4x100xi32, #tpu.memory_space<vmem>> -> memref<1x1x100xi32, #tpu.memory_space<vmem>>
      %dma_start3A_219 = tpu.memref_squeeze %dma_start3A_218 : memref<1x1x100xi32, #tpu.memory_space<vmem>> -> memref<100xi32, #tpu.memory_space<vmem>>
      %dma_start3A_220 = arith.constant 0 : i32
      %dma_start3A_221 = arith.constant 0 : i32
      %dma_start3A_222 = tpu.memref_slice %arg8[%dma_start3A_220, %dma_start3A_221] : memref<10000x64xf32, #tpu.memory_space<vmem_shared>> -> memref<10000x64xf32, #tpu.memory_space<vmem_shared>>
      %dma_start3A_223 = tpu.memref_slice %arg11[%rem3A_173] : memref<3x!tpu.dma_semaphore, #tpu.memory_space<semaphore_mem>> -> memref<1x!tpu.dma_semaphore, #tpu.memory_space<semaphore_mem>>
      %dma_start3A_224 = tpu.memref_squeeze %dma_start3A_223 : memref<1x!tpu.dma_semaphore, #tpu.memory_space<semaphore_mem>> -> memref<!tpu.dma_semaphore, #tpu.memory_space<semaphore_mem>>
      tpu.enqueue_indirect_dma source(%dma_start3A_216 : memref<100x64xf32, #tpu.memory_space<vmem>>) target(%dma_start3A_222 : memref<10000x64xf32, #tpu.memory_space<vmem_shared>>) offsets(%dma_start3A_219 : memref<100xi32, #tpu.memory_space<vmem>>) semaphore(%dma_start3A_224 : memref<!tpu.dma_semaphore, #tpu.memory_space<semaphore_mem>>) {add = true}
      %dma_start3A_225 = arith.constant 1 : i32
      %dma_start3A_226 = arith.constant 100 : i32
      %dma_start3A_227 = arith.constant 0 : i32
      %dma_start3A_228 = tpu.memref_slice %arg7[%rem3A_173, %dma_start3A_226, %dma_start3A_227] : memref<3x400x64xf32, #tpu.memory_space<vmem>> -> memref<1x100x64xf32, #tpu.memory_space<vmem>>
      %dma_start3A_229 = tpu.memref_squeeze %dma_start3A_228 : memref<1x100x64xf32, #tpu.memory_space<vmem>> -> memref<100x64xf32, #tpu.memory_space<vmem>>
      %dma_start3A_230 = arith.constant 0 : i32
      %dma_start3A_231 = tpu.memref_slice %arg6[%rem3A_173, %dma_start3A_225, %dma_start3A_230] : memref<3x4x100xi32, #tpu.memory_space<vmem>> -> memref<1x1x100xi32, #tpu.memory_space<vmem>>
      %dma_start3A_232 = tpu.memref_squeeze %dma_start3A_231 : memref<1x1x100xi32, #tpu.memory_space<vmem>> -> memref<100xi32, #tpu.memory_space<vmem>>
      %dma_start3A_233 = arith.constant 0 : i32
      %dma_start3A_234 = arith.constant 0 : i32
      %dma_start3A_235 = tpu.memref_slice %arg8[%dma_start3A_233, %dma_start3A_234] : memref<10000x64xf32, #tpu.memory_space<vmem_shared>> -> memref<10000x64xf32, #tpu.memory_space<vmem_shared>>
      %dma_start3A_236 = tpu.memref_slice %arg11[%rem3A_173] : memref<3x!tpu.dma_semaphore, #tpu.memory_space<semaphore_mem>> -> memref<1x!tpu.dma_semaphore, #tpu.memory_space<semaphore_mem>>
      %dma_start3A_237 = tpu.memref_squeeze %dma_start3A_236 : memref<1x!tpu.dma_semaphore, #tpu.memory_space<semaphore_mem>> -> memref<!tpu.dma_semaphore, #tpu.memory_space<semaphore_mem>>
      tpu.enqueue_indirect_dma source(%dma_start3A_229 : memref<100x64xf32, #tpu.memory_space<vmem>>) target(%dma_start3A_235 : memref<10000x64xf32, #tpu.memory_space<vmem_shared>>) offsets(%dma_start3A_232 : memref<100xi32, #tpu.memory_space<vmem>>) semaphore(%dma_start3A_237 : memref<!tpu.dma_semaphore, #tpu.memory_space<semaphore_mem>>) {add = true}
      %dma_start3A_238 = arith.constant 2 : i32
      %dma_start3A_239 = arith.constant 200 : i32
      %dma_start3A_240 = arith.constant 0 : i32
      %dma_start3A_241 = tpu.memref_slice %arg7[%rem3A_173, %dma_start3A_239, %dma_start3A_240] : memref<3x400x64xf32, #tpu.memory_space<vmem>> -> memref<1x100x64xf32, #tpu.memory_space<vmem>>
      %dma_start3A_242 = tpu.memref_squeeze %dma_start3A_241 : memref<1x100x64xf32, #tpu.memory_space<vmem>> -> memref<100x64xf32, #tpu.memory_space<vmem>>
      %dma_start3A_243 = arith.constant 0 : i32
      %dma_start3A_244 = tpu.memref_slice %arg6[%rem3A_173, %dma_start3A_238, %dma_start3A_243] : memref<3x4x100xi32, #tpu.memory_space<vmem>> -> memref<1x1x100xi32, #tpu.memory_space<vmem>>
      %dma_start3A_245 = tpu.memref_squeeze %dma_start3A_244 : memref<1x1x100xi32, #tpu.memory_space<vmem>> -> memref<100xi32, #tpu.memory_space<vmem>>
      %dma_start3A_246 = arith.constant 0 : i32
      %dma_start3A_247 = arith.constant 0 : i32
      %dma_start3A_248 = tpu.memref_slice %arg8[%dma_start3A_246, %dma_start3A_247] : memref<10000x64xf32, #tpu.memory_space<vmem_shared>> -> memref<10000x64xf32, #tpu.memory_space<vmem_shared>>
      %dma_start3A_249 = tpu.memref_slice %arg11[%rem3A_173] : memref<3x!tpu.dma_semaphore, #tpu.memory_space<semaphore_mem>> -> memref<1x!tpu.dma_semaphore, #tpu.memory_space<semaphore_mem>>
      %dma_start3A_250 = tpu.memref_squeeze %dma_start3A_249 : memref<1x!tpu.dma_semaphore, #tpu.memory_space<semaphore_mem>> -> memref<!tpu.dma_semaphore, #tpu.memory_space<semaphore_mem>>
      tpu.enqueue_indirect_dma source(%dma_start3A_242 : memref<100x64xf32, #tpu.memory_space<vmem>>) target(%dma_start3A_248 : memref<10000x64xf32, #tpu.memory_space<vmem_shared>>) offsets(%dma_start3A_245 : memref<100xi32, #tpu.memory_space<vmem>>) semaphore(%dma_start3A_250 : memref<!tpu.dma_semaphore, #tpu.memory_space<semaphore_mem>>) {add = true}
      %dma_start3A_251 = arith.constant 3 : i32
      %dma_start3A_252 = arith.constant 300 : i32
      %dma_start3A_253 = arith.constant 0 : i32
      %dma_start3A_254 = tpu.memref_slice %arg7[%rem3A_173, %dma_start3A_252, %dma_start3A_253] : memref<3x400x64xf32, #tpu.memory_space<vmem>> -> memref<1x100x64xf32, #tpu.memory_space<vmem>>
      %dma_start3A_255 = tpu.memref_squeeze %dma_start3A_254 : memref<1x100x64xf32, #tpu.memory_space<vmem>> -> memref<100x64xf32, #tpu.memory_space<vmem>>
      %dma_start3A_256 = arith.constant 0 : i32
      %dma_start3A_257 = tpu.memref_slice %arg6[%rem3A_173, %dma_start3A_251, %dma_start3A_256] : memref<3x4x100xi32, #tpu.memory_space<vmem>> -> memref<1x1x100xi32, #tpu.memory_space<vmem>>
      %dma_start3A_258 = tpu.memref_squeeze %dma_start3A_257 : memref<1x1x100xi32, #tpu.memory_space<vmem>> -> memref<100xi32, #tpu.memory_space<vmem>>
      %dma_start3A_259 = arith.constant 0 : i32
      %dma_start3A_260 = arith.constant 0 : i32
      %dma_start3A_261 = tpu.memref_slice %arg8[%dma_start3A_259, %dma_start3A_260] : memref<10000x64xf32, #tpu.memory_space<vmem_shared>> -> memref<10000x64xf32, #tpu.memory_space<vmem_shared>>
      %dma_start3A_262 = tpu.memref_slice %arg11[%rem3A_173] : memref<3x!tpu.dma_semaphore, #tpu.memory_space<semaphore_mem>> -> memref<1x!tpu.dma_semaphore, #tpu.memory_space<semaphore_mem>>
      %dma_start3A_263 = tpu.memref_squeeze %dma_start3A_262 : memref<1x!tpu.dma_semaphore, #tpu.memory_space<semaphore_mem>> -> memref<!tpu.dma_semaphore, #tpu.memory_space<semaphore_mem>>
      tpu.enqueue_indirect_dma source(%dma_start3A_255 : memref<100x64xf32, #tpu.memory_space<vmem>>) target(%dma_start3A_261 : memref<10000x64xf32, #tpu.memory_space<vmem_shared>>) offsets(%dma_start3A_258 : memref<100xi32, #tpu.memory_space<vmem>>) semaphore(%dma_start3A_263 : memref<!tpu.dma_semaphore, #tpu.memory_space<semaphore_mem>>) {add = true}
    }
    %scan3A_111 = arith.constant 50 : i32
    %rem3A_112 = arith.constant 49 : i32
    %rem3A_113 = arith.constant 3 : i32
    %rem3A_114 = arith.remsi %rem3A_112, %rem3A_113 : i32
    %dma_wait3A = arith.constant 0 : i32
    %dma_wait3A_115 = arith.constant 0 : i32
    %dma_wait3A_116 = arith.constant 0 : i32
    %dma_wait3A_117 = tpu.memref_slice %arg7[%rem3A_114, %dma_wait3A_115, %dma_wait3A_116] : memref<3x400x64xf32, #tpu.memory_space<vmem>> -> memref<1x100x64xf32, #tpu.memory_space<vmem>>
    %dma_wait3A_118 = tpu.memref_squeeze %dma_wait3A_117 : memref<1x100x64xf32, #tpu.memory_space<vmem>> -> memref<100x64xf32, #tpu.memory_space<vmem>>
    %dma_wait3A_119 = arith.constant 0 : i32
    %dma_wait3A_120 = tpu.memref_slice %arg6[%rem3A_114, %dma_wait3A, %dma_wait3A_119] : memref<3x4x100xi32, #tpu.memory_space<vmem>> -> memref<1x1x100xi32, #tpu.memory_space<vmem>>
    %dma_wait3A_121 = tpu.memref_squeeze %dma_wait3A_120 : memref<1x1x100xi32, #tpu.memory_space<vmem>> -> memref<100xi32, #tpu.memory_space<vmem>>
    %dma_wait3A_122 = arith.constant 0 : i32
    %dma_wait3A_123 = arith.constant 0 : i32
    %dma_wait3A_124 = tpu.memref_slice %arg8[%dma_wait3A_122, %dma_wait3A_123] : memref<10000x64xf32, #tpu.memory_space<vmem_shared>> -> memref<10000x64xf32, #tpu.memory_space<vmem_shared>>
    %dma_wait3A_125 = tpu.memref_slice %arg11[%rem3A_114] : memref<3x!tpu.dma_semaphore, #tpu.memory_space<semaphore_mem>> -> memref<1x!tpu.dma_semaphore, #tpu.memory_space<semaphore_mem>>
    %dma_wait3A_126 = tpu.memref_squeeze %dma_wait3A_125 : memref<1x!tpu.dma_semaphore, #tpu.memory_space<semaphore_mem>> -> memref<!tpu.dma_semaphore, #tpu.memory_space<semaphore_mem>>
    tpu.wait_indirect_dma semaphore(%dma_wait3A_126 : memref<!tpu.dma_semaphore, #tpu.memory_space<semaphore_mem>>) src(%dma_wait3A_118 : memref<100x64xf32, #tpu.memory_space<vmem>>) dst(%dma_wait3A_124 : memref<10000x64xf32, #tpu.memory_space<vmem_shared>>)
    %dma_wait3A_127 = arith.constant 1 : i32
    %dma_wait3A_128 = arith.constant 100 : i32
    %dma_wait3A_129 = arith.constant 0 : i32
    %dma_wait3A_130 = tpu.memref_slice %arg7[%rem3A_114, %dma_wait3A_128, %dma_wait3A_129] : memref<3x400x64xf32, #tpu.memory_space<vmem>> -> memref<1x100x64xf32, #tpu.memory_space<vmem>>
    %dma_wait3A_131 = tpu.memref_squeeze %dma_wait3A_130 : memref<1x100x64xf32, #tpu.memory_space<vmem>> -> memref<100x64xf32, #tpu.memory_space<vmem>>
    %dma_wait3A_132 = arith.constant 0 : i32
    %dma_wait3A_133 = tpu.memref_slice %arg6[%rem3A_114, %dma_wait3A_127, %dma_wait3A_132] : memref<3x4x100xi32, #tpu.memory_space<vmem>> -> memref<1x1x100xi32, #tpu.memory_space<vmem>>
    %dma_wait3A_134 = tpu.memref_squeeze %dma_wait3A_133 : memref<1x1x100xi32, #tpu.memory_space<vmem>> -> memref<100xi32, #tpu.memory_space<vmem>>
    %dma_wait3A_135 = arith.constant 0 : i32
    %dma_wait3A_136 = arith.constant 0 : i32
    %dma_wait3A_137 = tpu.memref_slice %arg8[%dma_wait3A_135, %dma_wait3A_136] : memref<10000x64xf32, #tpu.memory_space<vmem_shared>> -> memref<10000x64xf32, #tpu.memory_space<vmem_shared>>
    %dma_wait3A_138 = tpu.memref_slice %arg11[%rem3A_114] : memref<3x!tpu.dma_semaphore, #tpu.memory_space<semaphore_mem>> -> memref<1x!tpu.dma_semaphore, #tpu.memory_space<semaphore_mem>>
    %dma_wait3A_139 = tpu.memref_squeeze %dma_wait3A_138 : memref<1x!tpu.dma_semaphore, #tpu.memory_space<semaphore_mem>> -> memref<!tpu.dma_semaphore, #tpu.memory_space<semaphore_mem>>
    tpu.wait_indirect_dma semaphore(%dma_wait3A_139 : memref<!tpu.dma_semaphore, #tpu.memory_space<semaphore_mem>>) src(%dma_wait3A_131 : memref<100x64xf32, #tpu.memory_space<vmem>>) dst(%dma_wait3A_137 : memref<10000x64xf32, #tpu.memory_space<vmem_shared>>)
    %dma_wait3A_140 = arith.constant 2 : i32
    %dma_wait3A_141 = arith.constant 200 : i32
    %dma_wait3A_142 = arith.constant 0 : i32
    %dma_wait3A_143 = tpu.memref_slice %arg7[%rem3A_114, %dma_wait3A_141, %dma_wait3A_142] : memref<3x400x64xf32, #tpu.memory_space<vmem>> -> memref<1x100x64xf32, #tpu.memory_space<vmem>>
    %dma_wait3A_144 = tpu.memref_squeeze %dma_wait3A_143 : memref<1x100x64xf32, #tpu.memory_space<vmem>> -> memref<100x64xf32, #tpu.memory_space<vmem>>
    %dma_wait3A_145 = arith.constant 0 : i32
    %dma_wait3A_146 = tpu.memref_slice %arg6[%rem3A_114, %dma_wait3A_140, %dma_wait3A_145] : memref<3x4x100xi32, #tpu.memory_space<vmem>> -> memref<1x1x100xi32, #tpu.memory_space<vmem>>
    %dma_wait3A_147 = tpu.memref_squeeze %dma_wait3A_146 : memref<1x1x100xi32, #tpu.memory_space<vmem>> -> memref<100xi32, #tpu.memory_space<vmem>>
    %dma_wait3A_148 = arith.constant 0 : i32
    %dma_wait3A_149 = arith.constant 0 : i32
    %dma_wait3A_150 = tpu.memref_slice %arg8[%dma_wait3A_148, %dma_wait3A_149] : memref<10000x64xf32, #tpu.memory_space<vmem_shared>> -> memref<10000x64xf32, #tpu.memory_space<vmem_shared>>
    %dma_wait3A_151 = tpu.memref_slice %arg11[%rem3A_114] : memref<3x!tpu.dma_semaphore, #tpu.memory_space<semaphore_mem>> -> memref<1x!tpu.dma_semaphore, #tpu.memory_space<semaphore_mem>>
    %dma_wait3A_152 = tpu.memref_squeeze %dma_wait3A_151 : memref<1x!tpu.dma_semaphore, #tpu.memory_space<semaphore_mem>> -> memref<!tpu.dma_semaphore, #tpu.memory_space<semaphore_mem>>
    tpu.wait_indirect_dma semaphore(%dma_wait3A_152 : memref<!tpu.dma_semaphore, #tpu.memory_space<semaphore_mem>>) src(%dma_wait3A_144 : memref<100x64xf32, #tpu.memory_space<vmem>>) dst(%dma_wait3A_150 : memref<10000x64xf32, #tpu.memory_space<vmem_shared>>)
    %dma_wait3A_153 = arith.constant 3 : i32
    %dma_wait3A_154 = arith.constant 300 : i32
    %dma_wait3A_155 = arith.constant 0 : i32
    %dma_wait3A_156 = tpu.memref_slice %arg7[%rem3A_114, %dma_wait3A_154, %dma_wait3A_155] : memref<3x400x64xf32, #tpu.memory_space<vmem>> -> memref<1x100x64xf32, #tpu.memory_space<vmem>>
    %dma_wait3A_157 = tpu.memref_squeeze %dma_wait3A_156 : memref<1x100x64xf32, #tpu.memory_space<vmem>> -> memref<100x64xf32, #tpu.memory_space<vmem>>
    %dma_wait3A_158 = arith.constant 0 : i32
    %dma_wait3A_159 = tpu.memref_slice %arg6[%rem3A_114, %dma_wait3A_153, %dma_wait3A_158] : memref<3x4x100xi32, #tpu.memory_space<vmem>> -> memref<1x1x100xi32, #tpu.memory_space<vmem>>
    %dma_wait3A_160 = tpu.memref_squeeze %dma_wait3A_159 : memref<1x1x100xi32, #tpu.memory_space<vmem>> -> memref<100xi32, #tpu.memory_space<vmem>>
    %dma_wait3A_161 = arith.constant 0 : i32
    %dma_wait3A_162 = arith.constant 0 : i32
    %dma_wait3A_163 = tpu.memref_slice %arg8[%dma_wait3A_161, %dma_wait3A_162] : memref<10000x64xf32, #tpu.memory_space<vmem_shared>> -> memref<10000x64xf32, #tpu.memory_space<vmem_shared>>
    %dma_wait3A_164 = tpu.memref_slice %arg11[%rem3A_114] : memref<3x!tpu.dma_semaphore, #tpu.memory_space<semaphore_mem>> -> memref<1x!tpu.dma_semaphore, #tpu.memory_space<semaphore_mem>>
    %dma_wait3A_165 = tpu.memref_squeeze %dma_wait3A_164 : memref<1x!tpu.dma_semaphore, #tpu.memory_space<semaphore_mem>> -> memref<!tpu.dma_semaphore, #tpu.memory_space<semaphore_mem>>
    tpu.wait_indirect_dma semaphore(%dma_wait3A_165 : memref<!tpu.dma_semaphore, #tpu.memory_space<semaphore_mem>>) src(%dma_wait3A_157 : memref<100x64xf32, #tpu.memory_space<vmem>>) dst(%dma_wait3A_163 : memref<10000x64xf32, #tpu.memory_space<vmem_shared>>)
    %barrier3A_166 = arith.constant 0 : index
    tpu.barrier barrier_id(%barrier3A_166)
    %mul3A_167 = arith.constant 625 : i32
    %mul3A_168 = arith.muli %arg1, %mul3A_167 : i32
    %mul3A_169 = arith.constant 625 : i32
    %mul3A_170 = arith.muli %arg1, %mul3A_169 : i32
    "tpu.region"() ({
      %run_scoped3A = tpu.sem_alloc : memref<!tpu.dma_semaphore, #tpu.memory_space<semaphore_mem>>
      %dma_start3A_171 = tpu.memref_slice %arg5[%mul3A_170, %mul3A_2] : memref<10000x128xf32, #tpu.memory_space<hbm>> -> memref<625x64xf32, #tpu.memory_space<hbm>>
      %dma_start3A_172 = arith.constant 0 : i32
      %dma_start3A_173 = tpu.memref_slice %arg8[%mul3A_168, %dma_start3A_172] : memref<10000x64xf32, #tpu.memory_space<vmem_shared>> -> memref<625x64xf32, #tpu.memory_space<vmem_shared>>
      tpu.enqueue_dma source(%dma_start3A_173 : memref<625x64xf32, #tpu.memory_space<vmem_shared>>) target(%dma_start3A_171 : memref<625x64xf32, #tpu.memory_space<hbm>>) target_semaphore(%run_scoped3A : memref<!tpu.dma_semaphore, #tpu.memory_space<semaphore_mem>>)
      %dma_wait3A_174 = tpu.memref_slice %arg5[%mul3A_170, %mul3A_2] : memref<10000x128xf32, #tpu.memory_space<hbm>> -> memref<625x64xf32, #tpu.memory_space<hbm>>
      %dma_wait3A_175 = arith.constant 0 : i32
      %dma_wait3A_176 = tpu.memref_slice %arg8[%mul3A_168, %dma_wait3A_175] : memref<10000x64xf32, #tpu.memory_space<vmem_shared>> -> memref<625x64xf32, #tpu.memory_space<vmem_shared>>
      tpu.wait_dma2 semaphore(%run_scoped3A : memref<!tpu.dma_semaphore, #tpu.memory_space<semaphore_mem>>) src(%dma_wait3A_176 : memref<625x64xf32, #tpu.memory_space<vmem_shared>>) dst(%dma_wait3A_174 : memref<625x64xf32, #tpu.memory_space<hbm>>)
      tpu.yield
    }) : () -> ()
    return
  }
}

</mosaic_0001>

<sc_bundles>
// kernel: kernel.3.cloned.1.call-start
scs
__scs_entry_jumppad:
0x0: {  	(pc) =	sbr.rel $0x88, $3  }
0x1: {  	(tag) =	ssettag $0x0;
	lr =	simm.s32 $0x1  }
0x2: {  	[smem:$0x3F9F] =	sst lr;
	_ =	strace $0xD0000000  }
0x3: {  	_ = 	snop  }
0x4: {  	_ = 	snop  }
0x5: {  	_ = 	snop  }
0x6: {  	_ = 	snop  }
0x7: {  	_ = 	snop  }
__scs_overlays_trampoline_lowered:
0x8: {  	[smem:$0x3FAE] =	sst s0  }
0x9: {  	[smem:$0x3FAF] =	sst s1  }
0xa: {  	[smem:$0x3FB0] =	sst s2  }
0xb: {  	[smem:$0x3FB1] =	sst s3  }
0xc: {  	[smem:$0x3FB2] =	sst s4  }
0xd: {  	[smem:$0x3FB3] =	sst s5  }
0xe: {  	[smem:$0x3FB4] =	sst s6  }
0xf: {  	[smem:$0x3FB5] =	sst s7  }
0x10: {  	[smem:$0x3FB6] =	sst s8  }
0x11: {  	[smem:$0x3FB7] =	sst s9;
	s0 =	simm.s32 @!p0 $0x0  }
0x12: {  	s1 =	sld [smem:$0x3F9D];
	s0 =	simm.s32 @p0 $0x1  }
0x13: {  	[smem:$0x3FB8] =	sst s0;
	s0 =	simm.s32 @!p1 $0x0  }
0x14: {  	s2 =	sld [smem:$0x3F9C];
	s0 =	simm.s32 @p1 $0x1  }
0x15: {  	[smem:$0x3FB9] =	sst s0;
	s0 =	simm.s32 @!p2 $0x0  }
0x16: {  	s3 =	sld [smem:$0x3FDB];
	s0 =	simm.s32 @p2 $0x1  }
0x17: {  	s4 =	simm.s32 $0x1BF5;
	[smem:$0x3FBB] =	sst s0  }
0x18: {  	s0 =	sld [smem:$0x3F9E];
	_ =	swait.ge [sflag:s4], $0x0  }
0x19: {  	s7 =	sld [smem:$0x3F9F]  }
0x1a: {  	s8 =	sadd.s32 $0xFFFFE003, lr  }
0x1b: {  	s9 =	sadd.s32 $0xFFFFFEF7, lr;
	s5 =	simm.s32 $0xFFFFFFFF;
	p2 =	slt.u32 s8, $0xFFFFF086  }
0x1c: {  	p1 =	slt.u32 s9, $0xF7A;
	s5 =	simm.s32 @!p2 $0x0  }
0x1d: {  	s5 =	simm.s32 @p1 $0x1;
	p0 =	seq.s32 s7, s2  }
0x1e: {  	s7 =	smul.u32 @!p0 $0xF7A, s2;
	p2 =	seq.s32 @!p0 s5, $0x0  }
0x1f: {  	s9 =	smul.u32 $0xF7A, s1;
	s8 =	simm.s32 @!p0 $0x1BF5;
	p2 =	por !p2, p0  }
0x20: {  	[sflag:s8] =	ssyncset.s32 @!p0 $0xFFFFF086;
	s6 =	sadd.s32 @!p0 s3, s7;
	s7 =	simm.s32 @!p0 $0x108  }
0x21: {  	s3 =	sadd.s32 s3, s9;
	s6 =	sadd.s32 @!p0 $0x88, s6;
	s7 =	simm.s32 @p2 $0x1082  }
0x22: {  	[simem:s7], [sflag:s8] =	dma.local @!p0 [hbm:s6], $0xF7A  }
0x23: {  	s9 =	sor.u32 $0xD0000000, s2;
	s6 =	simm.s32 $0x108;
	_ =	swait.ge @!p0 [sflag:s8], $0x0  }
0x24: {  	s3 =	sadd.s32 $0x88, s3;
	s6 =	simm.s32 @!p1 $0x1082;
	[sflag:s4] =	ssyncset.s32 $0xFFFFF086  }
0x25: {  	[simem:s6], [sflag:s4] =	dma.local [hbm:s3], $0xF7A  }
0x26: {  	[smem:$0x3F9F] =	sst s1;
	(tag) =	ssettag s2;
	_ =	strace s9  }
0x27: {  	s1 =	sld [smem:$0x3FAF]  }
0x28: {  	s2 =	sld [smem:$0x3FB0]  }
0x29: {  	s4 =	sld [smem:$0x3FB2]  }
0x2a: {  	p0 =	seq.s32 s5, $0x0;
	s5 =	sld [smem:$0x3FB3]  }
0x2b: {  	s6 =	sld [smem:$0x3FB4]  }
0x2c: {  	s7 =	sld [smem:$0x3FB5]  }
0x2d: {  	s3 =	simm.s32 $0x108;
	s8 =	sld [smem:$0x3FB6]  }
0x2e: {  	s3 =	simm.s32 @!p0 $0x1082;
	s9 =	sld [smem:$0x3FB7]  }
0x2f: {  	lr =	sadd.s32 s0, s3;
	s0 =	sld [smem:$0x3FAE]  }
0x30: {  	s3 =	sld [smem:$0x3FB1]  }
0x31: {  	[smem:$0x3FBA] =	sst s10  }
0x32: {  	s10 =	sld [smem:$0x3FB8];
	_ =	sdelay $0x3  }
0x33: {  	p0 =	seq.s32 s10, $0x1;
	s10 =	sld [smem:$0x3FBA];
	_ =	sdelay $0x3  }
0x34: {  	[smem:$0x3FBA] =	sst s10  }
0x35: {  	s10 =	sld [smem:$0x3FB9];
	_ =	sdelay $0x3  }
0x36: {  	p1 =	seq.s32 s10, $0x1;
	s10 =	sld [smem:$0x3FBA];
	_ =	sdelay $0x3  }
0x37: {  	[smem:$0x3FBA] =	sst s10  }
0x38: {  	s10 =	sld [smem:$0x3FBB]  }
0x39: {  	_ = 	snop;
	(pc) =	sbr.ind lr, $3  }
0x3a: {  	_ = 	snop  }
0x3b: {  	_ = 	snop  }
0x3c: {  	p2 =	seq.s32 s10, $0x1;
	s10 =	sld [smem:$0x3FBA]  }
0x3d: {  	_ =	shalt  }
0x3e: {  	_ =	shalt  }
0x3f: {  	_ =	shalt  }
0x40: {  	_ =	shalt  }
0x41: {  	_ =	shalt  }
0x42: {  	_ =	shalt  }
0x43: {  	_ =	shalt  }
0x44: {  	_ =	shalt  }
0x45: {  	_ =	shalt  }
0x46: {  	_ =	shalt  }
0x47: {  	_ =	shalt  }
0x48: {  	_ =	shalt  }
0x49: {  	_ =	shalt  }
0x4a: {  	_ =	shalt  }
0x4b: {  	_ =	shalt  }
0x4c: {  	_ =	shalt  }
0x4d: {  	_ =	shalt  }
0x4e: {  	_ =	shalt  }
0x4f: {  	_ =	shalt  }
0x50: {  	_ =	shalt  }
0x51: {  	_ =	shalt  }
0x52: {  	_ =	shalt  }
0x53: {  	_ =	shalt  }
0x54: {  	_ =	shalt  }
0x55: {  	_ =	shalt  }
0x56: {  	_ =	shalt  }
0x57: {  	_ =	shalt  }
0x58: {  	_ =	shalt  }
0x59: {  	_ =	shalt  }
0x5a: {  	_ =	shalt  }
0x5b: {  	_ =	shalt  }
0x5c: {  	_ =	shalt  }
0x5d: {  	_ =	shalt  }
0x5e: {  	_ =	shalt  }
0x5f: {  	_ =	shalt  }
0x60: {  	_ =	shalt  }
0x61: {  	_ =	shalt  }
0x62: {  	_ =	shalt  }
0x63: {  	_ =	shalt  }
0x64: {  	_ =	shalt  }
0x65: {  	_ =	shalt  }
0x66: {  	_ =	shalt  }
0x67: {  	_ =	shalt  }
0x68: {  	_ =	shalt  }
0x69: {  	_ =	shalt  }
0x6a: {  	_ =	shalt  }
0x6b: {  	_ =	shalt  }
0x6c: {  	_ =	shalt  }
0x6d: {  	_ =	shalt  }
0x6e: {  	_ =	shalt  }
0x6f: {  	_ =	shalt  }
0x70: {  	_ =	shalt  }
0x71: {  	_ =	shalt  }
0x72: {  	_ =	shalt  }
0x73: {  	_ =	shalt  }
0x74: {  	_ =	shalt  }
0x75: {  	_ =	shalt  }
0x76: {  	_ =	shalt  }
0x77: {  	_ =	shalt  }
0x78: {  	_ =	shalt  }
0x79: {  	_ =	shalt  }
0x7a: {  	_ =	shalt  }
0x7b: {  	_ =	shalt  }
0x7c: {  	_ =	shalt  }
0x7d: {  	_ =	shalt  }
0x7e: {  	_ =	shalt  }
0x7f: {  	_ =	shalt  }
0x80: {  	_ =	shalt  }
0x81: {  	_ =	shalt  }
0x82: {  	_ =	shalt  }
0x83: {  	_ =	shalt  }
0x84: {  	_ =	shalt  }
0x85: {  	_ =	shalt  }
0x86: {  	_ =	shalt  }
0x87: {  	_ =	shalt  }
.Lfunc_end0:
.L_simem_size_0:
called_computation_lowered:
.L_overlay_start_0:
0x88: {  	s2 =	sld [smem:$0x3FD9]  }
0x89: {  	s3 =	sld [smem:$0x3FFE];
	_ =	sdelay $0x1  }
0x8a: {  	s1 =	srdreg.scid  }
0x8b: {  	s0 =	sand.u32 $0x1, s1  }
0x8c: {  	s17 =	sshll.u32 s0, $0xA;
	s2 =	sadd.s32 s3, s2  }
0x8d: {  	s2 =	sadd.s32 s2, s17  }
0x8e: {  	[smem:$0x3FC6] =	sst s2  }
0x8f: {  	_ = 	snop  }
0x90: {  	s2 =	sld [smem:$0x3FC9]  }
0x91: {  	s18 =	sld [smem:$0x3FD0];
	(tm) =	ssettm $0x1  }
0x92: {  	s4 =	sld [smem:$0x3FFB];
	_ =	sdelay $0x3  }
0x93: {  	_ =	strace s4  }
0x94: {  	s4 =	sld [smem:$0x3FFC];
	_ =	sdelay $0x3  }
0x95: {  	_ =	strace s4  }
0x96: {  	s4 =	sld [smem:$0x3FFD];
	_ =	sdelay $0x3  }
0x97: {  	_ =	strace s4  }
0x98: {  	_ =	strace $0x8FFFFFFF  }
0x99: {  	s19 =	sld [smem:$0x3FDB];
	_ =	sdelay $0x1  }
0x9a: {  	s5 =	simm.s32 $_scs_section_size  }
0x9b: {  	s6 =	simm.s32 $_size__tile_overlayer_lowered;
	s7 =	simm.s32 $_tile_overlayer_lowered  }
0x9c: {  	s22 =	simm.s32 $0x1BFF;
	s21 =	sshll.u32 s7, $0x1;
	s4 =	sadd.s32 s5, s19  }
0x9d: {  	s8 =	simm.s32 $0x0;
	s20 =	sshll.u32 s6, $0x1;
	s6 =	sadd.s32 s21, s4  }
0x9e: {  	[timem:s8], [sflag:s22] =	dma.local [hbm:s6], s20  }
0x9f: {  	_ =	swait.ge [sflag:s22], s20  }
0xa0: {  	s5 =	ssub.s32 $0x0, s20;
	[sflag:s22] =	ssyncset.done $0x0  }
0xa1: {  	[sflag:s22] =	ssyncadd.s32 s5;
	_ =	sdelay $0x1  }
0xa2: {  	s23 =	simm.s32 $0x1B8B  }
0xa3: {  	_ =	swait.ge [sflag:s23], $0x1  }
0xa4: {  	[sflag:s23] =	ssyncset.done $0x0  }
0xa5: {  	s25 =	simm.s32 $0x1B8E;
	s24 =	sld [smem:$0x3FFE];
	[sflag:s23] =	ssyncadd.s32 $0xFFFFFFFF  }
0xa6: {  	s26 =	simm.s32 $execute0_lowered;
	[smem:$0x3FD2] =	sst s25  }
0xa7: {  	s6 =	sshll.u32 s26, $0x1;
	_ =	strace $0x80000046;
	[dreg:$0x1] =	wrdreg $0xFFFFFFFF  }
0xa8: {  	s28 =	simm.s32 $_size_execute0_lowered;
	s4 =	sadd.s32 s4, s6;
	[dreg:$0x0] =	wrdreg $0x0  }
0xa9: {  	s6 =	sshll.u32 s28, $0x1;
	[dreg:$0x2] =	wrdreg s4  }
0xaa: {  	[dreg:$0x3] =	wrdreg s6  }
0xab: {  	[dreg:$0x4] =	wrdreg $0xC0  }
0xac: {  	_ =	task [dreg:s8], $0x5FFFF  }
0xad: {  	[dreg:$0x1] =	wrdreg $0xFFFFFFFF  }
0xae: {  	[dreg:$0x0] =	wrdreg $0x60  }
0xaf: {  	[dreg:$0x2] =	wrdreg s2  }
0xb0: {  	[dreg:$0x3] =	wrdreg s24  }
0xb1: {  	[dreg:$0x4] =	wrdreg s18  }
0xb2: {  	[dreg:$0x5] =	wrdreg $0x130E00  }
0xb3: {  	[dreg:$0x6] =	wrdreg $0x9  }
0xb4: {  	_ =	task.clear_ibuf [dreg:s8], $0x7FFFF;
	_ =	strace $0x90000046  }
0xb5: {  	s29 =	simm.s32 $0x9;
	_ =	strace $0x80000048  }
0xb6: {  	_ =	swait.ge [sflag:s29], $0x1  }
0xb7: {  	[sflag:s29] =	ssyncadd.s32 $0xFFFFFFFF  }
0xb8: {  	_ =	strace $0x90000048  }
0xb9: {  	_ =	sfence  }
0xba: {  	s30 =	sld [smem:$0x0];
	_ =	sdelay $0x2  }
0xbb: {  	s31 =	sshll.u32 s1, $0xD;
	s1 =	sshrl.u32 s1, $0x2  }
0xbc: {  	s3 =	sand.u32 $0x4000, s31;
	s1 =	sadd.s32 s1, s30  }
0xbd: {  	s0 =	sor.u32 s3, s0;
	s1 =	sshll.u32 s1, $0x11  }
0xbe: {  	s0 =	sor.u32 s1, s0  }
0xbf: {  	s0 =	sadd.s32 $0x8F2B, s0  }
0xc0: {  	[sflag:s0] =	ssyncadd.remote.s32 $0x1  }
0xc1: {  	_ =	sfence.sel $0xFFFF  }
0xc2: {  	[dreg:$0x0] =	wrdreg $0xFFFFFFFF;
	(pc) =	sbr.abs _section_cstart, $3  }
0xc3: {  	[dreg:$0x1] =	wrdreg $0xFFFFFFFF  }
0xc4: {  	_ =	task.clear_ibuf [dreg:s8], $0x2FFFF;
	_ =	strace $0x9FFFFFFF  }
0xc5: {  	(tm) =	ssettm $0x7FFFFFFF  }
tec
execute0_lowered:
.L_overlay_start_1:
0x0: {  	(tag) =	ssettag $0x1  }
0x1: {  	s13 =	rddreg [dreg:$0x0]  }
0x2: {  	s4 =	rddreg [dreg:$0x1]  }
0x3: {  	s10 =	rddreg [dreg:$0x2]  }
0x4: {  	s2 =	rddreg [dreg:$0x3];
	s0 =	stileid.u32  }
0x5: {  	s3 =	simm.s32 $0x0;
	s5 =	srdreg.scid;
	s6 =	smul.u32 $0x4E20, s0  }
0x6: {  	s17 =	simm.s32 $0x1A0;
	s18 =	simm.s32 $0x68E0;
	s7 =	smul.u32 $0xA28, s0  }
0x7: {  	s20 =	simm.s32 $0xA;
	[smem:$0x7FF] =	sst s3;
	s9 =	smul.u32 $0x271000, s0  }
0x8: {  	s5 =	sand.u32 $0x1, s5;
	s11 =	sadd.s32 $0x400, s4;
	s16 =	smul.u32 $0x27100, s0  }
0x9: {  	s4 =	sadd.s32 $0xA800, s4;
	s25 =	smul.u32 $0x13880, s0;
	s29 =	sshll.u32 s0, $0x6  }
0xa: {  	_ =	strace $0x80000047;
	s8 =	ssub.s32 $0x2, s5;
	s15 =	sshll.u32 s5, $0x6  }
0xb: {  	s6 =	sadd.s32 $0x190, s6;
	s12 =	sshrl.u32 s8, $0x1;
	s5 =	sadd.s32 s11, s7  }
0xc: {  	s9 =	sor.u32 s15, s9;
	s26 =	sshrl.u32 s16, $0x2;
	s28 =	sor.u32 s15, s25  }
0xd: {  	s25 =	simm.s32 $0x0;
	s14 =	smulhi.u32 $0x28F5C29, s6;
	s12 =	ssub.s32 s8, s12  }
0xe: {  	s22 =	sshrl.u32 s9, $0x3;
	s23 =	sshll.u32 s6, $0x7;
	s19 =	sadd.s32 s26, s2  }
0xf: {  	s30 =	sadd.s32 $0x19000, s9;
	s9 =	sor.u32 $0x1C0A, s29;
	s6 =	sadd.s32 s13, s22  }
0x10: {  	s24 =	sor.u32 s15, s23;
	s31 =	sshrl.u32 s30, $0x3;
	s15 =	simm.s32 $0x80  }
0x11: {  	s19 =	sshrl.u32 s19, $0x3;
	s22 =	simm.s32 $0x8;
	s23 =	simm.s32 $0x1  }
0x12: {  	s21 =	smul.u32 $0xD, s14;
	s8 =	sshrl.u32 s24, $0x3;
	s14 =	simm.s32 $0x40  }
0x13: {  	s24 =	simm.s32 $0x10;
	s8 =	sadd.s32 s13, s8;
	s13 =	sadd.s32 s31, s13  }
0x14: {  	s7 =	sadd.s32 s11, s21;
	s11 =	sshrl.u32 s28, $0x3;
	s21 =	simm.s32 $0x64  }
0x15: {  	s10 =	sadd.s32 s10, s11;
	s11 =	smax.u32 s12, $0x1;
	s12 =	sadd.s32 $0x68, s5  }
.LBB2_1:
0x16: {  	[tilespmem:s3], [sflag:$0x1] =	stream.linear.gather [hbm4b:s5+s3], $0x1A0, $0x38;
	[tilespmem:$0x1CD20] =	vst v63  }
0x17: {  	s0 =	simm.s32 $0x4E0  }
0x18: {  	[tilespmem:s0], [sflag:$0x4] =	stream.strided.gather [hbm4b:s6+s14], $0x6400, s15, s14, $0x38;
	[tilespmem:$0x1CD20] =	vst v63  }
0x19: {  	_ = 	snop  }
0x1a: {  	[tilespmem:s17], [sflag:$0x2] =	stream.linear.gather [hbm4b:s7+s3], $0x1A0, $0x38;
	[tilespmem:$0x1CD20] =	vst v63  }
0x1b: {  	_ = 	snop  }
0x1c: {  	[tilespmem:s18], [sflag:$0x5] =	stream.strided.gather [hbm4b:s8+s14], $0x6400, s15, s14, $0x38;
	[tilespmem:$0x1CD20] =	vst v63  }
0x1d: {  	[spmem:s19], [sflag:s9] =	dma.local [hbm:s4], $0x1388  }
0x1e: {  	_ =	swait.ge [sflag:s20], $0x1388  }
0x1f: {  	[sflag:s20] =	ssyncset.done $0x0  }
0x20: {  	s26 =	smov.u32 s13;
	[sflag:s20] =	ssyncadd.s32 $0xFFFFEC78  }
0x21: {  	s28 =	smov.u32 s12;
	s29 =	simm.s32 $0x0;
	[bflag:$0x0] =	sbarrier.arrive $0xFFFF  }
.LBB2_2:
0x22: {  	p0 =	seq.s32 s29, $0x0  }
0x23: {  	s30 =	sadd.s32 @!p0 $0x2, s29  }
0x24: {  	s31 =	sand.u32 @!p0 $0xFF, s30  }
0x25: {  	s31 =	smul.u32 @!p0 $0xAB, s31;
	_ =	sdelay $0x1  }
0x26: {  	s31 =	sshrl.u32 @!p0 s31, $0x9  }
0x27: {  	s31 =	smul.u32 @!p0 $0x3, s31;
	_ =	sdelay $0x1  }
0x28: {  	s30 =	ssub.s32 @!p0 s30, s31  }
0x29: {  	s30 =	sand.u32 @!p0 $0xFF, s30  }
0x2a: {  	s30 =	sadd.s32 @!p0 $0x7, s30  }
0x2b: {  	_ =	swait.ge @!p0 [sflag:s30], $0x1900  }
0x2c: {  	[sflag:s30] =	ssyncset.done @!p0 $0x0  }
0x2d: {  	[sflag:s30] =	ssyncadd.s32 @!p0 $0xFFFFE700  }
0x2e: {  	_ =	swait.ge @!p0 [sflag:s30], $0x1900  }
0x2f: {  	[sflag:s30] =	ssyncset.done @!p0 $0x0  }
0x30: {  	[sflag:s30] =	ssyncadd.s32 @!p0 $0xFFFFE700  }
0x31: {  	_ =	swait.ge @!p0 [sflag:s30], $0x1900  }
0x32: {  	[sflag:s30] =	ssyncset.done @!p0 $0x0  }
0x33: {  	[sflag:s30] =	ssyncadd.s32 @!p0 $0xFFFFE700  }
0x34: {  	p1 =	sgt.u32 @!p0 s29, $0x2F;
	_ =	swait.ge @!p0 [sflag:s30], $0x1900  }
0x35: {  	p1 =	por p0, !p1;
	[sflag:s30] =	ssyncset.done @!p0 $0x0  }
0x36: {  	[sflag:s30] =	ssyncadd.s32 @!p0 $0xFFFFE700;
	s30 =	sadd.s32 @p1 $0x2, s29  }
0x37: {  	s31 =	smul.u32 @p1 $0xAB, s30;
	_ =	sdelay $0x1  }
0x38: {  	s31 =	sshrl.u32 @p1 s31, $0x9  }
0x39: {  	s31 =	sand.u32 @p1 $0x7F, s31  }
0x3a: {  	s31 =	smul.u32 @p1 $0x3, s31;
	_ =	sdelay $0x1  }
0x3b: {  	s30 =	ssub.s32 @p1 s30, s31  }
0x3c: {  	s30 =	sand.u32 @p1 $0xFF, s30  }
0x3d: {  	s31 =	smul.u32 @p1 $0x680, s30;
	_ =	sdelay $0x1  }
0x3e: {  	s0 =	sadd.s32 @p1 $0x1, s30;
	s1 =	smul.u32 @p1 $0x19000, s30;
	s31 =	sshrl.u32 @p1 s31, $0x2  }
0x3f: {  	[tilespmem:s31], [sflag:s0] =	stream.linear.gather @p1 [hbm4b:s28+s3], $0x1A0, $0x38;
	[tilespmem:$0x1CD20] =	vst v63  }
0x40: {  	s0 =	sshrl.u32 @p1 s1, $0x2  }
0x41: {  	s1 =	sor.u32 @p1 $0x4, s30;
	s30 =	smul.u32 $0xAB, s29;
	s0 =	sadd.s32 @p1 $0x4E0, s0  }
0x42: {  	[tilespmem:s0], [sflag:s1] =	stream.strided.gather @p1 [hbm4b:s26+s14], $0x6400, s15, s14, $0x38;
	[tilespmem:$0x1CD20] =	vst v63  }
0x43: {  	s0 =	sshrl.u32 s30, $0x9  }
0x44: {  	s0 =	sand.u32 $0x7F, s0  }
0x45: {  	s0 =	smul.u32 $0x3, s0;
	_ =	sdelay $0x1  }
0x46: {  	s0 =	ssub.s32 s29, s0  }
0x47: {  	s0 =	sand.u32 $0xFF, s0  }
0x48: {  	s31 =	sadd.s32 $0x1, s0  }
0x49: {  	_ =	swait.ge [sflag:s31], $0x1A0  }
0x4a: {  	[sflag:s31] =	ssyncset.done $0x0  }
0x4b: {  	s1 =	sadd.s32 $0x4, s0;
	[sflag:s31] =	ssyncadd.s32 $0xFFFFFE60  }
0x4c: {  	s30 =	smul.u32 $0x19000, s0;
	_ =	swait.ge [sflag:s1], $0x6400  }
0x4d: {  	s16 =	smul.u32 $0x680, s0;
	[sflag:s1] =	ssyncset.done $0x0  }
0x4e: {  	s29 =	sadd.s32 $0x1, s29;
	[sflag:s1] =	ssyncadd.s32 $0xFFFF9C00;
	s1 =	sshrl.u32 s30, $0x2  }
0x4f: {  	s0 =	sadd.s32 $0x7, s0;
	s31 =	sshrl.u32 s16, $0x2;
	s30 =	sadd.s32 $0x4E0, s1  }
0x50: {  	[spmem:s2] =	stream.indirect.scatter.add.f32 [tilespmem:s30], [sflag:s0], $0x40, s31, s21, $0xb8;
	[tilespmem:$0x1CD20] =	vst v63  }
0x51: {  	p0 =	sne.s32 s29, $0x32;
	s16 =	sadd.s32 $0x68, s31;
	s30 =	sadd.s32 $0x1DE0, s1  }
0x52: {  	[spmem:s2] =	stream.indirect.scatter.add.f32 [tilespmem:s30], [sflag:s0], $0x40, s16, s21, $0xb8;
	[tilespmem:$0x1CD20] =	vst v63  }
.Ltmp0:
0x53: {  	_ = 	snop;
	(pc) =	sbr.rel @p0 .LBB2_2-.Ltmp0, $4  }
0x54: {  	s28 =	sadd.s32 $0x34, s28;
	s16 =	sadd.s32 $0x36E0, s1;
	s30 =	sadd.s32 $0xD0, s31  }
0x55: {  	[spmem:s2] =	stream.indirect.scatter.add.f32 [tilespmem:s16], [sflag:s0], $0x40, s30, s21, $0xb8;
	[tilespmem:$0x1CD20] =	vst v63  }
0x56: {  	s26 =	sadd.s32 $0x1900, s26;
	s1 =	sadd.s32 $0x4FE0, s1;
	s31 =	sadd.s32 $0x138, s31  }
0x57: {  	[spmem:s2] =	stream.indirect.scatter.add.f32 [tilespmem:s1], [sflag:s0], $0x40, s31, s21, $0xb8;
	[tilespmem:$0x1CD20] =	vst v63  }
0x58: {  	_ =	swait.ge [sflag:s22], $0x1900  }
0x59: {  	[sflag:s22] =	ssyncset.done $0x0  }
0x5a: {  	[sflag:s22] =	ssyncadd.s32 $0xFFFFE700  }
0x5b: {  	_ =	swait.ge [sflag:s22], $0x1900  }
0x5c: {  	[sflag:s22] =	ssyncset.done $0x0  }
0x5d: {  	[sflag:s22] =	ssyncadd.s32 $0xFFFFE700  }
0x5e: {  	_ =	swait.ge [sflag:s22], $0x1900  }
0x5f: {  	[sflag:s22] =	ssyncset.done $0x0  }
0x60: {  	[sflag:s22] =	ssyncadd.s32 $0xFFFFE700  }
0x61: {  	_ =	swait.ge [sflag:s22], $0x1900  }
0x62: {  	s25 =	sadd.s32 $0x1, s25;
	[sflag:s22] =	ssyncset.done $0x0  }
0x63: {  	p0 =	sne.s32 s25, s11;
	[sflag:s22] =	ssyncadd.s32 $0xFFFFE700  }
.Ltmp1:
0x64: {  	[bflag:$0x0] =	sbarrier.arrive $0xFFFF;
	(pc) =	sbr.rel @p0 .LBB2_1-.Ltmp1, $4  }
0x65: {  	[hbm:s10@s24], [sflag:s9] =	dma.strided [spmem:s19@s22], $0x1388, s23, $0x8   }
0x66: {  	_ =	swait.ge [sflag:s20], $0x1388  }
0x67: {  	[sflag:s20] =	ssyncset.done $0x0  }
0x68: {  	[sflag:s20] =	ssyncadd.s32 $0xFFFFEC78  }
0x69: {  	_ =	sfence.sel $0x180000  }
0x6a: {  	[bflag:$0x0] =	sbarrier.arrive $0xFFFF  }
0x6b: {  	_ =	strace $0x90000047  }
0x6c: {  	s0 =	stileid.u32;
	[bflag:$0x2] =	sbarrier.arrive $0xFFFF  }
0x6d: {  	p0 =	sne.s32 s0, $0x0;
	s0 =	rddreg [dreg:$0x4]  }
0x6e: {  	s0 =	sadd.s32 @!p0 $0x100000, s0  }
0x6f: {  	[sflag:s0] =	ssyncadd.tile.s32 @!p0 $0x1;
	_ =	shalt  }
.Lfunc_end2:
_tile_overlayer_lowered:
.L_overlay_start_2:
0x70: {  	(tag) =	ssettag $0x2  }
0x71: {  	s0 =	rddreg [dreg:$0x0];
	s2 =	stileid.u32  }
0x72: {  	s1 =	rddreg [dreg:$0x1];
	p0 =	sne.s32 s2, $0x0  }
0x73: {  	s3 =	rddreg [dreg:$0x2];
	[bflag:$0x3] =	sbarrier.arrive $0xFFFF;
	s2 =	simm.s32 @!p0 $0x1C0A  }
0x74: {  	[timem:s3], [sflag:s2] =	dma.local @!p0 [hbm:s0], s1  }
0x75: {  	s0 =	simm.s32 @!p0 $0xA  }
0x76: {  	_ =	swait.ge @!p0 [sflag:s0], s1  }
0x77: {  	s1 =	ssub.s32 @!p0 $0x0, s1;
	[sflag:s0] =	ssyncset.done @!p0 $0x0  }
0x78: {  	[sflag:s0] =	ssyncadd.s32 @!p0 s1  }
0x79: {  	[bflag:$0x3] =	sbarrier.arrive $0xFFFF  }
0x7a: {  	_ =	shalt  }

</sc_bundles>
